<compile_context>
chip_gen: v7x
topology: tpu7x:2x2x1
jax: 0.10.2.dev20260603
libtpu: 0.0.44.dev20260713+nightly
codegen_flags: <defaults>
</compile_context>

<pallas_src>
import functools

import jax
import jax.numpy as jnp
from jax import lax
from jax.experimental import pallas as pl
from jax.experimental.pallas import tpu as pltpu
from jax.experimental.pallas import tpu_sc as plsc

B, S, D = 1024, 64, 1024
NC, NS, L = 2, 16, 16
NW = NC * NS
S_PER_W = S // NW
NB = 8
NV = D // L
NCH = B // NB
NIN = 2
NOUT = 2
PREF = 1


def _sc_kernel(src_hbm, pos_hbm, out_hbm, pos_v, *bufs_and_sems):
    ins = bufs_and_sems[:NIN]
    outs = bufs_and_sems[NIN:NIN + NOUT]
    gsems = bufs_and_sems[NIN + NOUT:2 * NIN + NOUT]
    ssems = bufs_and_sems[2 * NIN + NOUT:]

    wid = lax.axis_index("s") * NC + lax.axis_index("c")
    s0 = wid * S_PER_W
    pltpu.sync_copy(pos_hbm.at[pl.ds(s0, S_PER_W)], pos_v)

    def gather(ci, bi):
        return pltpu.make_async_copy(
            src_hbm.at[pl.ds(ci * NB, NB), pl.ds(s0, S_PER_W)], ins[bi], gsems[bi])

    def scatter(ci, bo):
        return pltpu.make_async_copy(
            outs[bo], out_hbm.at[pl.ds(ci * NB, NB), pl.ds(s0, S_PER_W)], ssems[bo])

    def compute(src_v, dst_v):
        @plsc.parallel_loop(0, NV, step=1, unroll=2)
        def _(j):
            off = j * L
            for p in range(S_PER_W):
                pv = pos_v[p, pl.ds(off, L)]
                for b in range(NB):
                    dst_v[b, p, pl.ds(off, L)] = src_v[b, p, pl.ds(off, L)] + pv

    for k in range(PREF):
        gather(k, k).start()

    def body(g, carry):
        for u in range(NIN):
            ci = g * NIN + u
            bo = u % NOUT

            @pl.when(ci + PREF < NCH)
            def _():
                gather(ci + PREF, (u + PREF) % NIN).start()

            gather(ci, u).wait()

            @pl.when(ci >= NOUT)
            def _():
                scatter(ci - NOUT, bo).wait()

            compute(ins[u], outs[bo])
            scatter(ci, bo).start()
        return carry

    lax.fori_loop(0, NCH // NIN, body, 0)
    for k in range(NOUT):
        scatter(NCH - NOUT + k, k).wait()


def kernel(src, pos_embed):
    mesh = plsc.VectorSubcoreMesh(core_axis_name="c", subcore_axis_name="s")
    scratch = (
        [pltpu.VMEM((S_PER_W, D), jnp.float32)]
        + [pltpu.VMEM((NB, S_PER_W, D), jnp.float32) for _ in range(NIN + NOUT)]
        + [pltpu.SemaphoreType.DMA for _ in range(NIN + NOUT)]
    )
    f = functools.partial(
        pl.kernel,
        mesh=mesh,
        out_type=jax.ShapeDtypeStruct((B, S, D), jnp.float32),
        scratch_types=scratch,
    )(_sc_kernel)
    return f(src, pos_embed)

# --- scband reference (transcript-rebuilt; emitter-appended) ---
"""Pipeline reference for scband-positional-encoder-4260607558272 (READ-ONLY COPY).

The authoritative reference and input builder live on the scoring server;
editing this copy changes nothing except your own understanding.
"""

import jax, jax.numpy as jnp
import numpy as np


def setup_inputs(seed: int = 0) -> dict:
    key = jax.random.key(seed)
    k1, k2 = jax.random.split(key)
    src = jax.random.normal(k1, (1024, 64, 1024), dtype=jnp.float32)
    # learned positional embedding table: nn.Embedding(num_total=64, hidden_dim=1024)
    pos_embed = jax.random.normal(k2, (64, 1024), dtype=jnp.float32) * 0.02
    return {"src": src, "pos_embed": pos_embed}


def reference(src, pos_embed):
    # src: [B, 64, d_model]; pos_embed: [64, d_model]
    # torch: src_pos = weight.unsqueeze(0).repeat(bsize,1,1); src = src + src_pos
    bsize = src.shape[0]
    src_pos = jnp.broadcast_to(pos_embed[None, :, :], (bsize, pos_embed.shape[0], pos_embed.shape[1]))
    return src + src_pos

if __name__ == "__main__":
    import jax
    _d = setup_inputs()
    print(jax.jit(kernel)(*tuple(_d.values())))

</pallas_src>

<mosaic_0001>
#map = affine_map<(d0, d1) -> (0, 0, 0)>
#map1 = affine_map<(d0, d1) -> (0, 0)>
module attributes {stable_mosaic.version = 14 : i64} {
  func.func @_sc_kernel(%arg0: i32, %arg1: i32, %arg2: memref<1024x64x1024xf32, #tpu.memory_space<hbm>>, %arg3: memref<64x1024xf32, #tpu.memory_space<hbm>>, %arg4: memref<1024x64x1024xf32, #tpu.memory_space<hbm>>, %arg5: memref<2x1024xf32, #tpu.memory_space<vmem>>, %arg6: memref<8x2x1024xf32, #tpu.memory_space<vmem>>, %arg7: memref<8x2x1024xf32, #tpu.memory_space<vmem>>, %arg8: memref<8x2x1024xf32, #tpu.memory_space<vmem>>, %arg9: memref<8x2x1024xf32, #tpu.memory_space<vmem>>, %arg10: memref<!tpu.dma_semaphore, #tpu.memory_space<semaphore_mem>>, %arg11: memref<!tpu.dma_semaphore, #tpu.memory_space<semaphore_mem>>, %arg12: memref<!tpu.dma_semaphore, #tpu.memory_space<semaphore_mem>>, %arg13: memref<!tpu.dma_semaphore, #tpu.memory_space<semaphore_mem>>) attributes {dimension_semantics = [#tpu.dimension_semantics<core_parallel>, #tpu.dimension_semantics<subcore_parallel>], iteration_bounds = array<i64: 2, 16>, scalar_prefetch = 0 : i64, scratch_operands = 9 : i64, tpu.core_type = #tpu.core_type<sc_vector_subcore>, window_params = [{transform_indices = #map}, {transform_indices = #map1}, {transform_indices = #map}]} {
    %mul3A = arith.constant 2 : i32
    %mul3A_0 = arith.muli %arg1, %mul3A : i32
    %add3A = arith.addi %mul3A_0, %arg0 : i32
    %mul3A_1 = arith.constant 2 : i32
    %mul3A_2 = arith.muli %add3A, %mul3A_1 : i32
    "tpu.region"() ({
      %run_scoped3A = tpu.sem_alloc : memref<!tpu.dma_semaphore, #tpu.memory_space<semaphore_mem>>
      %dma_start3A_24 = arith.constant 0 : i32
      %dma_start3A_25 = tpu.memref_slice %arg3[%mul3A_2, %dma_start3A_24] : memref<64x1024xf32, #tpu.memory_space<hbm>> -> memref<2x1024xf32, #tpu.memory_space<hbm>>
      %dma_start3A_26 = arith.constant 0 : i32
      %dma_start3A_27 = tpu.memref_slice %arg3[%mul3A_2, %dma_start3A_26] : memref<64x1024xf32, #tpu.memory_space<hbm>> -> memref<2x1024xf32, #tpu.memory_space<hbm>>
      tpu.enqueue_dma source(%dma_start3A_27 : memref<2x1024xf32, #tpu.memory_space<hbm>>) target(%arg5 : memref<2x1024xf32, #tpu.memory_space<vmem>>) target_semaphore(%run_scoped3A : memref<!tpu.dma_semaphore, #tpu.memory_space<semaphore_mem>>)
      %dma_wait3A_28 = arith.constant 0 : i32
      %dma_wait3A_29 = tpu.memref_slice %arg3[%mul3A_2, %dma_wait3A_28] : memref<64x1024xf32, #tpu.memory_space<hbm>> -> memref<2x1024xf32, #tpu.memory_space<hbm>>
      %dma_wait3A_30 = arith.constant 0 : i32
      %dma_wait3A_31 = tpu.memref_slice %arg3[%mul3A_2, %dma_wait3A_30] : memref<64x1024xf32, #tpu.memory_space<hbm>> -> memref<2x1024xf32, #tpu.memory_space<hbm>>
      tpu.wait_dma2 semaphore(%run_scoped3A : memref<!tpu.dma_semaphore, #tpu.memory_space<semaphore_mem>>) src(%dma_wait3A_31 : memref<2x1024xf32, #tpu.memory_space<hbm>>) dst(%arg5 : memref<2x1024xf32, #tpu.memory_space<vmem>>)
      tpu.yield
    }) : () -> ()
    %dma_start3A = arith.constant 0 : i32
    %dma_start3A_3 = arith.constant 0 : i32
    %dma_start3A_4 = tpu.memref_slice %arg2[%dma_start3A, %mul3A_2, %dma_start3A_3] : memref<1024x64x1024xf32, #tpu.memory_space<hbm>> -> memref<8x2x1024xf32, #tpu.memory_space<hbm>>
    %dma_start3A_5 = arith.constant 0 : i32
    %dma_start3A_6 = arith.constant 0 : i32
    %dma_start3A_7 = tpu.memref_slice %arg2[%dma_start3A_5, %mul3A_2, %dma_start3A_6] : memref<1024x64x1024xf32, #tpu.memory_space<hbm>> -> memref<8x2x1024xf32, #tpu.memory_space<hbm>>
    tpu.enqueue_dma source(%dma_start3A_7 : memref<8x2x1024xf32, #tpu.memory_space<hbm>>) target(%arg6 : memref<8x2x1024xf32, #tpu.memory_space<vmem>>) target_semaphore(%arg10 : memref<!tpu.dma_semaphore, #tpu.memory_space<semaphore_mem>>)
    %scan3A = arith.constant 0 : i32
    %scan3A_8 = arith.constant 0 : i32
    %scan3A_9 = arith.constant 64 : i32
    %scan3A_10 = arith.addi %scan3A_8, %scan3A_9 : i32
    %scan3A_11 = arith.constant 1 : i32
    scf.for %scan3A_24 = %scan3A_8 to %scan3A_10 step %scan3A_11  : i32 {
      %mul3A_25 = arith.constant 2 : i32
      %mul3A_26 = arith.muli %scan3A_24, %mul3A_25 : i32
      %add3A_27 = arith.constant 0 : i32
      %add3A_28 = arith.addi %mul3A_26, %add3A_27 : i32
      %add3A_29 = arith.constant 1 : i32
      %add3A_30 = arith.addi %add3A_28, %add3A_29 : i32
      %lt3A = arith.constant 128 : i32
      %lt3A_31 = arith.cmpi slt, %add3A_30, %lt3A : i32
      %convert_element_type3A = arith.extui %lt3A_31 : i1 to i32
      %cond3A = arith.constant 0 : i32
      %cond3A_32 = arith.cmpi ne, %convert_element_type3A, %cond3A : i32
      scf.if %cond3A_32 {
        %add3A_82 = arith.constant 1 : i32
        %add3A_83 = arith.addi %add3A_28, %add3A_82 : i32
        %mul3A_84 = arith.constant 8 : i32
        %mul3A_85 = arith.muli %add3A_83, %mul3A_84 : i32
        %dma_start3A_86 = arith.constant 0 : i32
        %dma_start3A_87 = tpu.memref_slice %arg2[%mul3A_85, %mul3A_2, %dma_start3A_86] : memref<1024x64x1024xf32, #tpu.memory_space<hbm>> -> memref<8x2x1024xf32, #tpu.memory_space<hbm>>
        %dma_start3A_88 = arith.constant 0 : i32
        %dma_start3A_89 = tpu.memref_slice %arg2[%mul3A_85, %mul3A_2, %dma_start3A_88] : memref<1024x64x1024xf32, #tpu.memory_space<hbm>> -> memref<8x2x1024xf32, #tpu.memory_space<hbm>>
        tpu.enqueue_dma source(%dma_start3A_89 : memref<8x2x1024xf32, #tpu.memory_space<hbm>>) target(%arg7 : memref<8x2x1024xf32, #tpu.memory_space<vmem>>) target_semaphore(%arg11 : memref<!tpu.dma_semaphore, #tpu.memory_space<semaphore_mem>>)
      } else {
      }
      %mul3A_33 = arith.constant 8 : i32
      %mul3A_34 = arith.muli %add3A_28, %mul3A_33 : i32
      %dma_wait3A_35 = arith.constant 0 : i32
      %dma_wait3A_36 = tpu.memref_slice %arg2[%mul3A_34, %mul3A_2, %dma_wait3A_35] : memref<1024x64x1024xf32, #tpu.memory_space<hbm>> -> memref<8x2x1024xf32, #tpu.memory_space<hbm>>
      %dma_wait3A_37 = arith.constant 0 : i32
      %dma_wait3A_38 = tpu.memref_slice %arg2[%mul3A_34, %mul3A_2, %dma_wait3A_37] : memref<1024x64x1024xf32, #tpu.memory_space<hbm>> -> memref<8x2x1024xf32, #tpu.memory_space<hbm>>
      tpu.wait_dma2 semaphore(%arg10 : memref<!tpu.dma_semaphore, #tpu.memory_space<semaphore_mem>>) src(%dma_wait3A_38 : memref<8x2x1024xf32, #tpu.memory_space<hbm>>) dst(%arg6 : memref<8x2x1024xf32, #tpu.memory_space<vmem>>)
      %ge3A = arith.constant 2 : i32
      %ge3A_39 = arith.cmpi sge, %add3A_28, %ge3A : i32
      %convert_element_type3A_40 = arith.extui %ge3A_39 : i1 to i32
      %cond3A_41 = arith.constant 0 : i32
      %cond3A_42 = arith.cmpi ne, %convert_element_type3A_40, %cond3A_41 : i32
      scf.if %cond3A_42 {
        %sub3A = arith.constant 2 : i32
        %sub3A_82 = arith.subi %add3A_28, %sub3A : i32
        %mul3A_83 = arith.constant 8 : i32
        %mul3A_84 = arith.muli %sub3A_82, %mul3A_83 : i32
        %dma_wait3A_85 = arith.constant 0 : i32
        %dma_wait3A_86 = tpu.memref_slice %arg4[%mul3A_84, %mul3A_2, %dma_wait3A_85] : memref<1024x64x1024xf32, #tpu.memory_space<hbm>> -> memref<8x2x1024xf32, #tpu.memory_space<hbm>>
        %dma_wait3A_87 = arith.constant 0 : i32
        %dma_wait3A_88 = tpu.memref_slice %arg4[%mul3A_84, %mul3A_2, %dma_wait3A_87] : memref<1024x64x1024xf32, #tpu.memory_space<hbm>> -> memref<8x2x1024xf32, #tpu.memory_space<hbm>>
        tpu.wait_dma2 semaphore(%arg12 : memref<!tpu.dma_semaphore, #tpu.memory_space<semaphore_mem>>) src(%arg8 : memref<8x2x1024xf32, #tpu.memory_space<vmem>>) dst(%dma_wait3A_88 : memref<8x2x1024xf32, #tpu.memory_space<hbm>>)
      } else {
      }
      %parallel_loop3A = arith.constant 0 : i32
      %parallel_loop3A_43 = arith.constant 64 : i32
      %parallel_loop3A_44 = arith.constant 1 : i32
      scf.for %parallel_loop3A_82 = %parallel_loop3A to %parallel_loop3A_43 step %parallel_loop3A_44  : i32 {
        %parallel_loop3A_83 = arith.constant 16 : i32
        %parallel_loop3A_84 = arith.muli %parallel_loop3A_82, %parallel_loop3A_83 : i32
        %parallel_loop3A_85 = arith.constant 0 : i32
        %parallel_loop3A_86 = arith.index_cast %parallel_loop3A_85 : i32 to index
        %parallel_loop3A_87 = arith.index_cast %parallel_loop3A_84 : i32 to index
        %parallel_loop3A_88 = tpu.vector_load %arg5[%parallel_loop3A_86, %parallel_loop3A_87] {strides = array<i32>} : memref<2x1024xf32, #tpu.memory_space<vmem>>, vector<1x16xf32>,
        %parallel_loop3A_89 = vector.shape_cast %parallel_loop3A_88 : vector<1x16xf32> to vector<16xf32>
        %parallel_loop3A_90 = arith.constant 0 : i32
        %parallel_loop3A_91 = arith.constant 0 : i32
        %parallel_loop3A_92 = arith.index_cast %parallel_loop3A_90 : i32 to index
        %parallel_loop3A_93 = arith.index_cast %parallel_loop3A_91 : i32 to index
        %parallel_loop3A_94 = arith.index_cast %parallel_loop3A_84 : i32 to index
        %parallel_loop3A_95 = tpu.vector_load %arg6[%parallel_loop3A_92, %parallel_loop3A_93, %parallel_loop3A_94] {strides = array<i32>} : memref<8x2x1024xf32, #tpu.memory_space<vmem>>, vector<1x1x16xf32>,
        %parallel_loop3A_96 = vector.shape_cast %parallel_loop3A_95 : vector<1x1x16xf32> to vector<16xf32>
        %parallel_loop3A_97 = arith.addf %parallel_loop3A_96, %parallel_loop3A_89 : vector<16xf32>
        %parallel_loop3A_98 = arith.constant 0 : i32
        %parallel_loop3A_99 = arith.constant 0 : i32
        %parallel_loop3A_100 = arith.index_cast %parallel_loop3A_98 : i32 to index
        %parallel_loop3A_101 = arith.index_cast %parallel_loop3A_99 : i32 to index
        %parallel_loop3A_102 = arith.index_cast %parallel_loop3A_84 : i32 to index
        %parallel_loop3A_103 = tpu.vector_load %arg8[%parallel_loop3A_100, %parallel_loop3A_101, %parallel_loop3A_102] {strides = array<i32>} : memref<8x2x1024xf32, #tpu.memory_space<vmem>>, vector<1x1x16xf32>,
        %parallel_loop3A_104 = vector.shape_cast %parallel_loop3A_103 : vector<1x1x16xf32> to vector<16xf32>
        %parallel_loop3A_105 = vector.shape_cast %parallel_loop3A_97 : vector<16xf32> to vector<1x1x16xf32>
        tpu.vector_store %arg8[%parallel_loop3A_100, %parallel_loop3A_101, %parallel_loop3A_102], %parallel_loop3A_105 {strides = array<i32>} : memref<8x2x1024xf32, #tpu.memory_space<vmem>>, vector<1x1x16xf32>,
        %parallel_loop3A_106 = arith.constant 1 : i32
        %parallel_loop3A_107 = arith.constant 0 : i32
        %parallel_loop3A_108 = arith.index_cast %parallel_loop3A_106 : i32 to index
        %parallel_loop3A_109 = arith.index_cast %parallel_loop3A_107 : i32 to index
        %parallel_loop3A_110 = arith.index_cast %parallel_loop3A_84 : i32 to index
        %parallel_loop3A_111 = tpu.vector_load %arg6[%parallel_loop3A_108, %parallel_loop3A_109, %parallel_loop3A_110] {strides = array<i32>} : memref<8x2x1024xf32, #tpu.memory_space<vmem>>, vector<1x1x16xf32>,
        %parallel_loop3A_112 = vector.shape_cast %parallel_loop3A_111 : vector<1x1x16xf32> to vector<16xf32>
        %parallel_loop3A_113 = arith.addf %parallel_loop3A_112, %parallel_loop3A_89 : vector<16xf32>
        %parallel_loop3A_114 = arith.constant 1 : i32
        %parallel_loop3A_115 = arith.constant 0 : i32
        %parallel_loop3A_116 = arith.index_cast %parallel_loop3A_114 : i32 to index
        %parallel_loop3A_117 = arith.index_cast %parallel_loop3A_115 : i32 to index
        %parallel_loop3A_118 = arith.index_cast %parallel_loop3A_84 : i32 to index
        %parallel_loop3A_119 = tpu.vector_load %arg8[%parallel_loop3A_116, %parallel_loop3A_117, %parallel_loop3A_118] {strides = array<i32>} : memref<8x2x1024xf32, #tpu.memory_space<vmem>>, vector<1x1x16xf32>,
        %parallel_loop3A_120 = vector.shape_cast %parallel_loop3A_119 : vector<1x1x16xf32> to vector<16xf32>
        %parallel_loop3A_121 = vector.shape_cast %parallel_loop3A_113 : vector<16xf32> to vector<1x1x16xf32>
        tpu.vector_store %arg8[%parallel_loop3A_116, %parallel_loop3A_117, %parallel_loop3A_118], %parallel_loop3A_121 {strides = array<i32>} : memref<8x2x1024xf32, #tpu.memory_space<vmem>>, vector<1x1x16xf32>,
        %parallel_loop3A_122 = arith.constant 2 : i32
        %parallel_loop3A_123 = arith.constant 0 : i32
        %parallel_loop3A_124 = arith.index_cast %parallel_loop3A_122 : i32 to index
        %parallel_loop3A_125 = arith.index_cast %parallel_loop3A_123 : i32 to index
        %parallel_loop3A_126 = arith.index_cast %parallel_loop3A_84 : i32 to index
        %parallel_loop3A_127 = tpu.vector_load %arg6[%parallel_loop3A_124, %parallel_loop3A_125, %parallel_loop3A_126] {strides = array<i32>} : memref<8x2x1024xf32, #tpu.memory_space<vmem>>, vector<1x1x16xf32>,
        %parallel_loop3A_128 = vector.shape_cast %parallel_loop3A_127 : vector<1x1x16xf32> to vector<16xf32>
        %parallel_loop3A_129 = arith.addf %parallel_loop3A_128, %parallel_loop3A_89 : vector<16xf32>
        %parallel_loop3A_130 = arith.constant 2 : i32
        %parallel_loop3A_131 = arith.constant 0 : i32
        %parallel_loop3A_132 = arith.index_cast %parallel_loop3A_130 : i32 to index
        %parallel_loop3A_133 = arith.index_cast %parallel_loop3A_131 : i32 to index
        %parallel_loop3A_134 = arith.index_cast %parallel_loop3A_84 : i32 to index
        %parallel_loop3A_135 = tpu.vector_load %arg8[%parallel_loop3A_132, %parallel_loop3A_133, %parallel_loop3A_134] {strides = array<i32>} : memref<8x2x1024xf32, #tpu.memory_space<vmem>>, vector<1x1x16xf32>,
        %parallel_loop3A_136 = vector.shape_cast %parallel_loop3A_135 : vector<1x1x16xf32> to vector<16xf32>
        %parallel_loop3A_137 = vector.shape_cast %parallel_loop3A_129 : vector<16xf32> to vector<1x1x16xf32>
        tpu.vector_store %arg8[%parallel_loop3A_132, %parallel_loop3A_133, %parallel_loop3A_134], %parallel_loop3A_137 {strides = array<i32>} : memref<8x2x1024xf32, #tpu.memory_space<vmem>>, vector<1x1x16xf32>,
        %parallel_loop3A_138 = arith.constant 3 : i32
        %parallel_loop3A_139 = arith.constant 0 : i32
        %parallel_loop3A_140 = arith.index_cast %parallel_loop3A_138 : i32 to index
        %parallel_loop3A_141 = arith.index_cast %parallel_loop3A_139 : i32 to index
        %parallel_loop3A_142 = arith.index_cast %parallel_loop3A_84 : i32 to index
        %parallel_loop3A_143 = tpu.vector_load %arg6[%parallel_loop3A_140, %parallel_loop3A_141, %parallel_loop3A_142] {strides = array<i32>} : memref<8x2x1024xf32, #tpu.memory_space<vmem>>, vector<1x1x16xf32>,
        %parallel_loop3A_144 = vector.shape_cast %parallel_loop3A_143 : vector<1x1x16xf32> to vector<16xf32>
        %parallel_loop3A_145 = arith.addf %parallel_loop3A_144, %parallel_loop3A_89 : vector<16xf32>
        %parallel_loop3A_146 = arith.constant 3 : i32
        %parallel_loop3A_147 = arith.constant 0 : i32
        %parallel_loop3A_148 = arith.index_cast %parallel_loop3A_146 : i32 to index
        %parallel_loop3A_149 = arith.index_cast %parallel_loop3A_147 : i32 to index
        %parallel_loop3A_150 = arith.index_cast %parallel_loop3A_84 : i32 to index
        %parallel_loop3A_151 = tpu.vector_load %arg8[%parallel_loop3A_148, %parallel_loop3A_149, %parallel_loop3A_150] {strides = array<i32>} : memref<8x2x1024xf32, #tpu.memory_space<vmem>>, vector<1x1x16xf32>,
        %parallel_loop3A_152 = vector.shape_cast %parallel_loop3A_151 : vector<1x1x16xf32> to vector<16xf32>
        %parallel_loop3A_153 = vector.shape_cast %parallel_loop3A_145 : vector<16xf32> to vector<1x1x16xf32>
        tpu.vector_store %arg8[%parallel_loop3A_148, %parallel_loop3A_149, %parallel_loop3A_150], %parallel_loop3A_153 {strides = array<i32>} : memref<8x2x1024xf32, #tpu.memory_space<vmem>>, vector<1x1x16xf32>,
        %parallel_loop3A_154 = arith.constant 4 : i32
        %parallel_loop3A_155 = arith.constant 0 : i32
        %parallel_loop3A_156 = arith.index_cast %parallel_loop3A_154 : i32 to index
        %parallel_loop3A_157 = arith.index_cast %parallel_loop3A_155 : i32 to index
        %parallel_loop3A_158 = arith.index_cast %parallel_loop3A_84 : i32 to index
        %parallel_loop3A_159 = tpu.vector_load %arg6[%parallel_loop3A_156, %parallel_loop3A_157, %parallel_loop3A_158] {strides = array<i32>} : memref<8x2x1024xf32, #tpu.memory_space<vmem>>, vector<1x1x16xf32>,
        %parallel_loop3A_160 = vector.shape_cast %parallel_loop3A_159 : vector<1x1x16xf32> to vector<16xf32>
        %parallel_loop3A_161 = arith.addf %parallel_loop3A_160, %parallel_loop3A_89 : vector<16xf32>
        %parallel_loop3A_162 = arith.constant 4 : i32
        %parallel_loop3A_163 = arith.constant 0 : i32
        %parallel_loop3A_164 = arith.index_cast %parallel_loop3A_162 : i32 to index
        %parallel_loop3A_165 = arith.index_cast %parallel_loop3A_163 : i32 to index
        %parallel_loop3A_166 = arith.index_cast %parallel_loop3A_84 : i32 to index
        %parallel_loop3A_167 = tpu.vector_load %arg8[%parallel_loop3A_164, %parallel_loop3A_165, %parallel_loop3A_166] {strides = array<i32>} : memref<8x2x1024xf32, #tpu.memory_space<vmem>>, vector<1x1x16xf32>,
        %parallel_loop3A_168 = vector.shape_cast %parallel_loop3A_167 : vector<1x1x16xf32> to vector<16xf32>
        %parallel_loop3A_169 = vector.shape_cast %parallel_loop3A_161 : vector<16xf32> to vector<1x1x16xf32>
        tpu.vector_store %arg8[%parallel_loop3A_164, %parallel_loop3A_165, %parallel_loop3A_166], %parallel_loop3A_169 {strides = array<i32>} : memref<8x2x1024xf32, #tpu.memory_space<vmem>>, vector<1x1x16xf32>,
        %parallel_loop3A_170 = arith.constant 5 : i32
        %parallel_loop3A_171 = arith.constant 0 : i32
        %parallel_loop3A_172 = arith.index_cast %parallel_loop3A_170 : i32 to index
        %parallel_loop3A_173 = arith.index_cast %parallel_loop3A_171 : i32 to index
        %parallel_loop3A_174 = arith.index_cast %parallel_loop3A_84 : i32 to index
        %parallel_loop3A_175 = tpu.vector_load %arg6[%parallel_loop3A_172, %parallel_loop3A_173, %parallel_loop3A_174] {strides = array<i32>} : memref<8x2x1024xf32, #tpu.memory_space<vmem>>, vector<1x1x16xf32>,
        %parallel_loop3A_176 = vector.shape_cast %parallel_loop3A_175 : vector<1x1x16xf32> to vector<16xf32>
        %parallel_loop3A_177 = arith.addf %parallel_loop3A_176, %parallel_loop3A_89 : vector<16xf32>
        %parallel_loop3A_178 = arith.constant 5 : i32
        %parallel_loop3A_179 = arith.constant 0 : i32
        %parallel_loop3A_180 = arith.index_cast %parallel_loop3A_178 : i32 to index
        %parallel_loop3A_181 = arith.index_cast %parallel_loop3A_179 : i32 to index
        %parallel_loop3A_182 = arith.index_cast %parallel_loop3A_84 : i32 to index
        %parallel_loop3A_183 = tpu.vector_load %arg8[%parallel_loop3A_180, %parallel_loop3A_181, %parallel_loop3A_182] {strides = array<i32>} : memref<8x2x1024xf32, #tpu.memory_space<vmem>>, vector<1x1x16xf32>,
        %parallel_loop3A_184 = vector.shape_cast %parallel_loop3A_183 : vector<1x1x16xf32> to vector<16xf32>
        %parallel_loop3A_185 = vector.shape_cast %parallel_loop3A_177 : vector<16xf32> to vector<1x1x16xf32>
        tpu.vector_store %arg8[%parallel_loop3A_180, %parallel_loop3A_181, %parallel_loop3A_182], %parallel_loop3A_185 {strides = array<i32>} : memref<8x2x1024xf32, #tpu.memory_space<vmem>>, vector<1x1x16xf32>,
        %parallel_loop3A_186 = arith.constant 6 : i32
        %parallel_loop3A_187 = arith.constant 0 : i32
        %parallel_loop3A_188 = arith.index_cast %parallel_loop3A_186 : i32 to index
        %parallel_loop3A_189 = arith.index_cast %parallel_loop3A_187 : i32 to index
        %parallel_loop3A_190 = arith.index_cast %parallel_loop3A_84 : i32 to index
        %parallel_loop3A_191 = tpu.vector_load %arg6[%parallel_loop3A_188, %parallel_loop3A_189, %parallel_loop3A_190] {strides = array<i32>} : memref<8x2x1024xf32, #tpu.memory_space<vmem>>, vector<1x1x16xf32>,
        %parallel_loop3A_192 = vector.shape_cast %parallel_loop3A_191 : vector<1x1x16xf32> to vector<16xf32>
        %parallel_loop3A_193 = arith.addf %parallel_loop3A_192, %parallel_loop3A_89 : vector<16xf32>
        %parallel_loop3A_194 = arith.constant 6 : i32
        %parallel_loop3A_195 = arith.constant 0 : i32
        %parallel_loop3A_196 = arith.index_cast %parallel_loop3A_194 : i32 to index
        %parallel_loop3A_197 = arith.index_cast %parallel_loop3A_195 : i32 to index
        %parallel_loop3A_198 = arith.index_cast %parallel_loop3A_84 : i32 to index
        %parallel_loop3A_199 = tpu.vector_load %arg8[%parallel_loop3A_196, %parallel_loop3A_197, %parallel_loop3A_198] {strides = array<i32>} : memref<8x2x1024xf32, #tpu.memory_space<vmem>>, vector<1x1x16xf32>,
        %parallel_loop3A_200 = vector.shape_cast %parallel_loop3A_199 : vector<1x1x16xf32> to vector<16xf32>
        %parallel_loop3A_201 = vector.shape_cast %parallel_loop3A_193 : vector<16xf32> to vector<1x1x16xf32>
        tpu.vector_store %arg8[%parallel_loop3A_196, %parallel_loop3A_197, %parallel_loop3A_198], %parallel_loop3A_201 {strides = array<i32>} : memref<8x2x1024xf32, #tpu.memory_space<vmem>>, vector<1x1x16xf32>,
        %parallel_loop3A_202 = arith.constant 7 : i32
        %parallel_loop3A_203 = arith.constant 0 : i32
        %parallel_loop3A_204 = arith.index_cast %parallel_loop3A_202 : i32 to index
        %parallel_loop3A_205 = arith.index_cast %parallel_loop3A_203 : i32 to index
        %parallel_loop3A_206 = arith.index_cast %parallel_loop3A_84 : i32 to index
        %parallel_loop3A_207 = tpu.vector_load %arg6[%parallel_loop3A_204, %parallel_loop3A_205, %parallel_loop3A_206] {strides = array<i32>} : memref<8x2x1024xf32, #tpu.memory_space<vmem>>, vector<1x1x16xf32>,
        %parallel_loop3A_208 = vector.shape_cast %parallel_loop3A_207 : vector<1x1x16xf32> to vector<16xf32>
        %parallel_loop3A_209 = arith.addf %parallel_loop3A_208, %parallel_loop3A_89 : vector<16xf32>
        %parallel_loop3A_210 = arith.constant 7 : i32
        %parallel_loop3A_211 = arith.constant 0 : i32
        %parallel_loop3A_212 = arith.index_cast %parallel_loop3A_210 : i32 to index
        %parallel_loop3A_213 = arith.index_cast %parallel_loop3A_211 : i32 to index
        %parallel_loop3A_214 = arith.index_cast %parallel_loop3A_84 : i32 to index
        %parallel_loop3A_215 = tpu.vector_load %arg8[%parallel_loop3A_212, %parallel_loop3A_213, %parallel_loop3A_214] {strides = array<i32>} : memref<8x2x1024xf32, #tpu.memory_space<vmem>>, vector<1x1x16xf32>,
        %parallel_loop3A_216 = vector.shape_cast %parallel_loop3A_215 : vector<1x1x16xf32> to vector<16xf32>
        %parallel_loop3A_217 = vector.shape_cast %parallel_loop3A_209 : vector<16xf32> to vector<1x1x16xf32>
        tpu.vector_store %arg8[%parallel_loop3A_212, %parallel_loop3A_213, %parallel_loop3A_214], %parallel_loop3A_217 {strides = array<i32>} : memref<8x2x1024xf32, #tpu.memory_space<vmem>>, vector<1x1x16xf32>,
        %parallel_loop3A_218 = arith.constant 1 : i32
        %parallel_loop3A_219 = arith.index_cast %parallel_loop3A_218 : i32 to index
        %parallel_loop3A_220 = arith.index_cast %parallel_loop3A_84 : i32 to index
        %parallel_loop3A_221 = tpu.vector_load %arg5[%parallel_loop3A_219, %parallel_loop3A_220] {strides = array<i32>} : memref<2x1024xf32, #tpu.memory_space<vmem>>, vector<1x16xf32>,
        %parallel_loop3A_222 = vector.shape_cast %parallel_loop3A_221 : vector<1x16xf32> to vector<16xf32>
        %parallel_loop3A_223 = arith.constant 0 : i32
        %parallel_loop3A_224 = arith.constant 1 : i32
        %parallel_loop3A_225 = arith.index_cast %parallel_loop3A_223 : i32 to index
        %parallel_loop3A_226 = arith.index_cast %parallel_loop3A_224 : i32 to index
        %parallel_loop3A_227 = arith.index_cast %parallel_loop3A_84 : i32 to index
        %parallel_loop3A_228 = tpu.vector_load %arg6[%parallel_loop3A_225, %parallel_loop3A_226, %parallel_loop3A_227] {strides = array<i32>} : memref<8x2x1024xf32, #tpu.memory_space<vmem>>, vector<1x1x16xf32>,
        %parallel_loop3A_229 = vector.shape_cast %parallel_loop3A_228 : vector<1x1x16xf32> to vector<16xf32>
        %parallel_loop3A_230 = arith.addf %parallel_loop3A_229, %parallel_loop3A_222 : vector<16xf32>
        %parallel_loop3A_231 = arith.constant 0 : i32
        %parallel_loop3A_232 = arith.constant 1 : i32
        %parallel_loop3A_233 = arith.index_cast %parallel_loop3A_231 : i32 to index
        %parallel_loop3A_234 = arith.index_cast %parallel_loop3A_232 : i32 to index
        %parallel_loop3A_235 = arith.index_cast %parallel_loop3A_84 : i32 to index
        %parallel_loop3A_236 = tpu.vector_load %arg8[%parallel_loop3A_233, %parallel_loop3A_234, %parallel_loop3A_235] {strides = array<i32>} : memref<8x2x1024xf32, #tpu.memory_space<vmem>>, vector<1x1x16xf32>,
        %parallel_loop3A_237 = vector.shape_cast %parallel_loop3A_236 : vector<1x1x16xf32> to vector<16xf32>
        %parallel_loop3A_238 = vector.shape_cast %parallel_loop3A_230 : vector<16xf32> to vector<1x1x16xf32>
        tpu.vector_store %arg8[%parallel_loop3A_233, %parallel_loop3A_234, %parallel_loop3A_235], %parallel_loop3A_238 {strides = array<i32>} : memref<8x2x1024xf32, #tpu.memory_space<vmem>>, vector<1x1x16xf32>,
        %parallel_loop3A_239 = arith.constant 1 : i32
        %parallel_loop3A_240 = arith.constant 1 : i32
        %parallel_loop3A_241 = arith.index_cast %parallel_loop3A_239 : i32 to index
        %parallel_loop3A_242 = arith.index_cast %parallel_loop3A_240 : i32 to index
        %parallel_loop3A_243 = arith.index_cast %parallel_loop3A_84 : i32 to index
        %parallel_loop3A_244 = tpu.vector_load %arg6[%parallel_loop3A_241, %parallel_loop3A_242, %parallel_loop3A_243] {strides = array<i32>} : memref<8x2x1024xf32, #tpu.memory_space<vmem>>, vector<1x1x16xf32>,
        %parallel_loop3A_245 = vector.shape_cast %parallel_loop3A_244 : vector<1x1x16xf32> to vector<16xf32>
        %parallel_loop3A_246 = arith.addf %parallel_loop3A_245, %parallel_loop3A_222 : vector<16xf32>
        %parallel_loop3A_247 = arith.constant 1 : i32
        %parallel_loop3A_248 = arith.constant 1 : i32
        %parallel_loop3A_249 = arith.index_cast %parallel_loop3A_247 : i32 to index
        %parallel_loop3A_250 = arith.index_cast %parallel_loop3A_248 : i32 to index
        %parallel_loop3A_251 = arith.index_cast %parallel_loop3A_84 : i32 to index
        %parallel_loop3A_252 = tpu.vector_load %arg8[%parallel_loop3A_249, %parallel_loop3A_250, %parallel_loop3A_251] {strides = array<i32>} : memref<8x2x1024xf32, #tpu.memory_space<vmem>>, vector<1x1x16xf32>,
        %parallel_loop3A_253 = vector.shape_cast %parallel_loop3A_252 : vector<1x1x16xf32> to vector<16xf32>
        %parallel_loop3A_254 = vector.shape_cast %parallel_loop3A_246 : vector<16xf32> to vector<1x1x16xf32>
        tpu.vector_store %arg8[%parallel_loop3A_249, %parallel_loop3A_250, %parallel_loop3A_251], %parallel_loop3A_254 {strides = array<i32>} : memref<8x2x1024xf32, #tpu.memory_space<vmem>>, vector<1x1x16xf32>,
        %parallel_loop3A_255 = arith.constant 2 : i32
        %parallel_loop3A_256 = arith.constant 1 : i32
        %parallel_loop3A_257 = arith.index_cast %parallel_loop3A_255 : i32 to index
        %parallel_loop3A_258 = arith.index_cast %parallel_loop3A_256 : i32 to index
        %parallel_loop3A_259 = arith.index_cast %parallel_loop3A_84 : i32 to index
        %parallel_loop3A_260 = tpu.vector_load %arg6[%parallel_loop3A_257, %parallel_loop3A_258, %parallel_loop3A_259] {strides = array<i32>} : memref<8x2x1024xf32, #tpu.memory_space<vmem>>, vector<1x1x16xf32>,
        %parallel_loop3A_261 = vector.shape_cast %parallel_loop3A_260 : vector<1x1x16xf32> to vector<16xf32>
        %parallel_loop3A_262 = arith.addf %parallel_loop3A_261, %parallel_loop3A_222 : vector<16xf32>
        %parallel_loop3A_263 = arith.constant 2 : i32
        %parallel_loop3A_264 = arith.constant 1 : i32
        %parallel_loop3A_265 = arith.index_cast %parallel_loop3A_263 : i32 to index
        %parallel_loop3A_266 = arith.index_cast %parallel_loop3A_264 : i32 to index
        %parallel_loop3A_267 = arith.index_cast %parallel_loop3A_84 : i32 to index
        %parallel_loop3A_268 = tpu.vector_load %arg8[%parallel_loop3A_265, %parallel_loop3A_266, %parallel_loop3A_267] {strides = array<i32>} : memref<8x2x1024xf32, #tpu.memory_space<vmem>>, vector<1x1x16xf32>,
        %parallel_loop3A_269 = vector.shape_cast %parallel_loop3A_268 : vector<1x1x16xf32> to vector<16xf32>
        %parallel_loop3A_270 = vector.shape_cast %parallel_loop3A_262 : vector<16xf32> to vector<1x1x16xf32>
        tpu.vector_store %arg8[%parallel_loop3A_265, %parallel_loop3A_266, %parallel_loop3A_267], %parallel_loop3A_270 {strides = array<i32>} : memref<8x2x1024xf32, #tpu.memory_space<vmem>>, vector<1x1x16xf32>,
        %parallel_loop3A_271 = arith.constant 3 : i32
        %parallel_loop3A_272 = arith.constant 1 : i32
        %parallel_loop3A_273 = arith.index_cast %parallel_loop3A_271 : i32 to index
        %parallel_loop3A_274 = arith.index_cast %parallel_loop3A_272 : i32 to index
        %parallel_loop3A_275 = arith.index_cast %parallel_loop3A_84 : i32 to index
        %parallel_loop3A_276 = tpu.vector_load %arg6[%parallel_loop3A_273, %parallel_loop3A_274, %parallel_loop3A_275] {strides = array<i32>} : memref<8x2x1024xf32, #tpu.memory_space<vmem>>, vector<1x1x16xf32>,
        %parallel_loop3A_277 = vector.shape_cast %parallel_loop3A_276 : vector<1x1x16xf32> to vector<16xf32>
        %parallel_loop3A_278 = arith.addf %parallel_loop3A_277, %parallel_loop3A_222 : vector<16xf32>
        %parallel_loop3A_279 = arith.constant 3 : i32
        %parallel_loop3A_280 = arith.constant 1 : i32
        %parallel_loop3A_281 = arith.index_cast %parallel_loop3A_279 : i32 to index
        %parallel_loop3A_282 = arith.index_cast %parallel_loop3A_280 : i32 to index
        %parallel_loop3A_283 = arith.index_cast %parallel_loop3A_84 : i32 to index
        %parallel_loop3A_284 = tpu.vector_load %arg8[%parallel_loop3A_281, %parallel_loop3A_282, %parallel_loop3A_283] {strides = array<i32>} : memref<8x2x1024xf32, #tpu.memory_space<vmem>>, vector<1x1x16xf32>,
        %parallel_loop3A_285 = vector.shape_cast %parallel_loop3A_284 : vector<1x1x16xf32> to vector<16xf32>
        %parallel_loop3A_286 = vector.shape_cast %parallel_loop3A_278 : vector<16xf32> to vector<1x1x16xf32>
        tpu.vector_store %arg8[%parallel_loop3A_281, %parallel_loop3A_282, %parallel_loop3A_283], %parallel_loop3A_286 {strides = array<i32>} : memref<8x2x1024xf32, #tpu.memory_space<vmem>>, vector<1x1x16xf32>,
        %parallel_loop3A_287 = arith.constant 4 : i32
        %parallel_loop3A_288 = arith.constant 1 : i32
        %parallel_loop3A_289 = arith.index_cast %parallel_loop3A_287 : i32 to index
        %parallel_loop3A_290 = arith.index_cast %parallel_loop3A_288 : i32 to index
        %parallel_loop3A_291 = arith.index_cast %parallel_loop3A_84 : i32 to index
        %parallel_loop3A_292 = tpu.vector_load %arg6[%parallel_loop3A_289, %parallel_loop3A_290, %parallel_loop3A_291] {strides = array<i32>} : memref<8x2x1024xf32, #tpu.memory_space<vmem>>, vector<1x1x16xf32>,
        %parallel_loop3A_293 = vector.shape_cast %parallel_loop3A_292 : vector<1x1x16xf32> to vector<16xf32>
        %parallel_loop3A_294 = arith.addf %parallel_loop3A_293, %parallel_loop3A_222 : vector<16xf32>
        %parallel_loop3A_295 = arith.constant 4 : i32
        %parallel_loop3A_296 = arith.constant 1 : i32
        %parallel_loop3A_297 = arith.index_cast %parallel_loop3A_295 : i32 to index
        %parallel_loop3A_298 = arith.index_cast %parallel_loop3A_296 : i32 to index
        %parallel_loop3A_299 = arith.index_cast %parallel_loop3A_84 : i32 to index
        %parallel_loop3A_300 = tpu.vector_load %arg8[%parallel_loop3A_297, %parallel_loop3A_298, %parallel_loop3A_299] {strides = array<i32>} : memref<8x2x1024xf32, #tpu.memory_space<vmem>>, vector<1x1x16xf32>,
        %parallel_loop3A_301 = vector.shape_cast %parallel_loop3A_300 : vector<1x1x16xf32> to vector<16xf32>
        %parallel_loop3A_302 = vector.shape_cast %parallel_loop3A_294 : vector<16xf32> to vector<1x1x16xf32>
        tpu.vector_store %arg8[%parallel_loop3A_297, %parallel_loop3A_298, %parallel_loop3A_299], %parallel_loop3A_302 {strides = array<i32>} : memref<8x2x1024xf32, #tpu.memory_space<vmem>>, vector<1x1x16xf32>,
        %parallel_loop3A_303 = arith.constant 5 : i32
        %parallel_loop3A_304 = arith.constant 1 : i32
        %parallel_loop3A_305 = arith.index_cast %parallel_loop3A_303 : i32 to index
        %parallel_loop3A_306 = arith.index_cast %parallel_loop3A_304 : i32 to index
        %parallel_loop3A_307 = arith.index_cast %parallel_loop3A_84 : i32 to index
        %parallel_loop3A_308 = tpu.vector_load %arg6[%parallel_loop3A_305, %parallel_loop3A_306, %parallel_loop3A_307] {strides = array<i32>} : memref<8x2x1024xf32, #tpu.memory_space<vmem>>, vector<1x1x16xf32>,
        %parallel_loop3A_309 = vector.shape_cast %parallel_loop3A_308 : vector<1x1x16xf32> to vector<16xf32>
        %parallel_loop3A_310 = arith.addf %parallel_loop3A_309, %parallel_loop3A_222 : vector<16xf32>
        %parallel_loop3A_311 = arith.constant 5 : i32
        %parallel_loop3A_312 = arith.constant 1 : i32
        %parallel_loop3A_313 = arith.index_cast %parallel_loop3A_311 : i32 to index
        %parallel_loop3A_314 = arith.index_cast %parallel_loop3A_312 : i32 to index
        %parallel_loop3A_315 = arith.index_cast %parallel_loop3A_84 : i32 to index
        %parallel_loop3A_316 = tpu.vector_load %arg8[%parallel_loop3A_313, %parallel_loop3A_314, %parallel_loop3A_315] {strides = array<i32>} : memref<8x2x1024xf32, #tpu.memory_space<vmem>>, vector<1x1x16xf32>,
        %parallel_loop3A_317 = vector.shape_cast %parallel_loop3A_316 : vector<1x1x16xf32> to vector<16xf32>
        %parallel_loop3A_318 = vector.shape_cast %parallel_loop3A_310 : vector<16xf32> to vector<1x1x16xf32>
        tpu.vector_store %arg8[%parallel_loop3A_313, %parallel_loop3A_314, %parallel_loop3A_315], %parallel_loop3A_318 {strides = array<i32>} : memref<8x2x1024xf32, #tpu.memory_space<vmem>>, vector<1x1x16xf32>,
        %parallel_loop3A_319 = arith.constant 6 : i32
        %parallel_loop3A_320 = arith.constant 1 : i32
        %parallel_loop3A_321 = arith.index_cast %parallel_loop3A_319 : i32 to index
        %parallel_loop3A_322 = arith.index_cast %parallel_loop3A_320 : i32 to index
        %parallel_loop3A_323 = arith.index_cast %parallel_loop3A_84 : i32 to index
        %parallel_loop3A_324 = tpu.vector_load %arg6[%parallel_loop3A_321, %parallel_loop3A_322, %parallel_loop3A_323] {strides = array<i32>} : memref<8x2x1024xf32, #tpu.memory_space<vmem>>, vector<1x1x16xf32>,
        %parallel_loop3A_325 = vector.shape_cast %parallel_loop3A_324 : vector<1x1x16xf32> to vector<16xf32>
        %parallel_loop3A_326 = arith.addf %parallel_loop3A_325, %parallel_loop3A_222 : vector<16xf32>
        %parallel_loop3A_327 = arith.constant 6 : i32
        %parallel_loop3A_328 = arith.constant 1 : i32
        %parallel_loop3A_329 = arith.index_cast %parallel_loop3A_327 : i32 to index
        %parallel_loop3A_330 = arith.index_cast %parallel_loop3A_328 : i32 to index
        %parallel_loop3A_331 = arith.index_cast %parallel_loop3A_84 : i32 to index
        %parallel_loop3A_332 = tpu.vector_load %arg8[%parallel_loop3A_329, %parallel_loop3A_330, %parallel_loop3A_331] {strides = array<i32>} : memref<8x2x1024xf32, #tpu.memory_space<vmem>>, vector<1x1x16xf32>,
        %parallel_loop3A_333 = vector.shape_cast %parallel_loop3A_332 : vector<1x1x16xf32> to vector<16xf32>
        %parallel_loop3A_334 = vector.shape_cast %parallel_loop3A_326 : vector<16xf32> to vector<1x1x16xf32>
        tpu.vector_store %arg8[%parallel_loop3A_329, %parallel_loop3A_330, %parallel_loop3A_331], %parallel_loop3A_334 {strides = array<i32>} : memref<8x2x1024xf32, #tpu.memory_space<vmem>>, vector<1x1x16xf32>,
        %parallel_loop3A_335 = arith.constant 7 : i32
        %parallel_loop3A_336 = arith.constant 1 : i32
        %parallel_loop3A_337 = arith.index_cast %parallel_loop3A_335 : i32 to index
        %parallel_loop3A_338 = arith.index_cast %parallel_loop3A_336 : i32 to index
        %parallel_loop3A_339 = arith.index_cast %parallel_loop3A_84 : i32 to index
        %parallel_loop3A_340 = tpu.vector_load %arg6[%parallel_loop3A_337, %parallel_loop3A_338, %parallel_loop3A_339] {strides = array<i32>} : memref<8x2x1024xf32, #tpu.memory_space<vmem>>, vector<1x1x16xf32>,
        %parallel_loop3A_341 = vector.shape_cast %parallel_loop3A_340 : vector<1x1x16xf32> to vector<16xf32>
        %parallel_loop3A_342 = arith.addf %parallel_loop3A_341, %parallel_loop3A_222 : vector<16xf32>
        %parallel_loop3A_343 = arith.constant 7 : i32
        %parallel_loop3A_344 = arith.constant 1 : i32
        %parallel_loop3A_345 = arith.index_cast %parallel_loop3A_343 : i32 to index
        %parallel_loop3A_346 = arith.index_cast %parallel_loop3A_344 : i32 to index
        %parallel_loop3A_347 = arith.index_cast %parallel_loop3A_84 : i32 to index
        %parallel_loop3A_348 = tpu.vector_load %arg8[%parallel_loop3A_345, %parallel_loop3A_346, %parallel_loop3A_347] {strides = array<i32>} : memref<8x2x1024xf32, #tpu.memory_space<vmem>>, vector<1x1x16xf32>,
        %parallel_loop3A_349 = vector.shape_cast %parallel_loop3A_348 : vector<1x1x16xf32> to vector<16xf32>
        %parallel_loop3A_350 = vector.shape_cast %parallel_loop3A_342 : vector<16xf32> to vector<1x1x16xf32>
        tpu.vector_store %arg8[%parallel_loop3A_345, %parallel_loop3A_346, %parallel_loop3A_347], %parallel_loop3A_350 {strides = array<i32>} : memref<8x2x1024xf32, #tpu.memory_space<vmem>>, vector<1x1x16xf32>,
      } {sc.loop_unroll_factor = 2 : i64, sc.parallel_access}
      %mul3A_45 = arith.constant 8 : i32
      %mul3A_46 = arith.muli %add3A_28, %mul3A_45 : i32
      %dma_start3A_47 = arith.constant 0 : i32
      %dma_start3A_48 = tpu.memref_slice %arg4[%mul3A_46, %mul3A_2, %dma_start3A_47] : memref<1024x64x1024xf32, #tpu.memory_space<hbm>> -> memref<8x2x1024xf32, #tpu.memory_space<hbm>>
      %dma_start3A_49 = arith.constant 0 : i32
      %dma_start3A_50 = tpu.memref_slice %arg4[%mul3A_46, %mul3A_2, %dma_start3A_49] : memref<1024x64x1024xf32, #tpu.memory_space<hbm>> -> memref<8x2x1024xf32, #tpu.memory_space<hbm>>
      tpu.enqueue_dma source(%arg8 : memref<8x2x1024xf32, #tpu.memory_space<vmem>>) target(%dma_start3A_50 : memref<8x2x1024xf32, #tpu.memory_space<hbm>>) target_semaphore(%arg12 : memref<!tpu.dma_semaphore, #tpu.memory_space<semaphore_mem>>)
      %mul3A_51 = arith.constant 2 : i32
      %mul3A_52 = arith.muli %scan3A_24, %mul3A_51 : i32
      %add3A_53 = arith.constant 1 : i32
      %add3A_54 = arith.addi %mul3A_52, %add3A_53 : i32
      %add3A_55 = arith.constant 1 : i32
      %add3A_56 = arith.addi %add3A_54, %add3A_55 : i32
      %lt3A_57 = arith.constant 128 : i32
      %lt3A_58 = arith.cmpi slt, %add3A_56, %lt3A_57 : i32
      %convert_element_type3A_59 = arith.extui %lt3A_58 : i1 to i32
      %cond3A_60 = arith.constant 0 : i32
      %cond3A_61 = arith.cmpi ne, %convert_element_type3A_59, %cond3A_60 : i32
      scf.if %cond3A_61 {
        %add3A_82 = arith.constant 1 : i32
        %add3A_83 = arith.addi %add3A_54, %add3A_82 : i32
        %mul3A_84 = arith.constant 8 : i32
        %mul3A_85 = arith.muli %add3A_83, %mul3A_84 : i32
        %dma_start3A_86 = arith.constant 0 : i32
        %dma_start3A_87 = tpu.memref_slice %arg2[%mul3A_85, %mul3A_2, %dma_start3A_86] : memref<1024x64x1024xf32, #tpu.memory_space<hbm>> -> memref<8x2x1024xf32, #tpu.memory_space<hbm>>
        %dma_start3A_88 = arith.constant 0 : i32
        %dma_start3A_89 = tpu.memref_slice %arg2[%mul3A_85, %mul3A_2, %dma_start3A_88] : memref<1024x64x1024xf32, #tpu.memory_space<hbm>> -> memref<8x2x1024xf32, #tpu.memory_space<hbm>>
        tpu.enqueue_dma source(%dma_start3A_89 : memref<8x2x1024xf32, #tpu.memory_space<hbm>>) target(%arg6 : memref<8x2x1024xf32, #tpu.memory_space<vmem>>) target_semaphore(%arg10 : memref<!tpu.dma_semaphore, #tpu.memory_space<semaphore_mem>>)
      } else {
      }
      %mul3A_62 = arith.constant 8 : i32
      %mul3A_63 = arith.muli %add3A_54, %mul3A_62 : i32
      %dma_wait3A_64 = arith.constant 0 : i32
      %dma_wait3A_65 = tpu.memref_slice %arg2[%mul3A_63, %mul3A_2, %dma_wait3A_64] : memref<1024x64x1024xf32, #tpu.memory_space<hbm>> -> memref<8x2x1024xf32, #tpu.memory_space<hbm>>
      %dma_wait3A_66 = arith.constant 0 : i32
      %dma_wait3A_67 = tpu.memref_slice %arg2[%mul3A_63, %mul3A_2, %dma_wait3A_66] : memref<1024x64x1024xf32, #tpu.memory_space<hbm>> -> memref<8x2x1024xf32, #tpu.memory_space<hbm>>
      tpu.wait_dma2 semaphore(%arg11 : memref<!tpu.dma_semaphore, #tpu.memory_space<semaphore_mem>>) src(%dma_wait3A_67 : memref<8x2x1024xf32, #tpu.memory_space<hbm>>) dst(%arg7 : memref<8x2x1024xf32, #tpu.memory_space<vmem>>)
      %ge3A_68 = arith.constant 2 : i32
      %ge3A_69 = arith.cmpi sge, %add3A_54, %ge3A_68 : i32
      %convert_element_type3A_70 = arith.extui %ge3A_69 : i1 to i32
      %cond3A_71 = arith.constant 0 : i32
      %cond3A_72 = arith.cmpi ne, %convert_element_type3A_70, %cond3A_71 : i32
      scf.if %cond3A_72 {
        %sub3A = arith.constant 2 : i32
        %sub3A_82 = arith.subi %add3A_54, %sub3A : i32
        %mul3A_83 = arith.constant 8 : i32
        %mul3A_84 = arith.muli %sub3A_82, %mul3A_83 : i32
        %dma_wait3A_85 = arith.constant 0 : i32
        %dma_wait3A_86 = tpu.memref_slice %arg4[%mul3A_84, %mul3A_2, %dma_wait3A_85] : memref<1024x64x1024xf32, #tpu.memory_space<hbm>> -> memref<8x2x1024xf32, #tpu.memory_space<hbm>>
        %dma_wait3A_87 = arith.constant 0 : i32
        %dma_wait3A_88 = tpu.memref_slice %arg4[%mul3A_84, %mul3A_2, %dma_wait3A_87] : memref<1024x64x1024xf32, #tpu.memory_space<hbm>> -> memref<8x2x1024xf32, #tpu.memory_space<hbm>>
        tpu.wait_dma2 semaphore(%arg13 : memref<!tpu.dma_semaphore, #tpu.memory_space<semaphore_mem>>) src(%arg9 : memref<8x2x1024xf32, #tpu.memory_space<vmem>>) dst(%dma_wait3A_88 : memref<8x2x1024xf32, #tpu.memory_space<hbm>>)
      } else {
      }
      %parallel_loop3A_73 = arith.constant 0 : i32
      %parallel_loop3A_74 = arith.constant 64 : i32
      %parallel_loop3A_75 = arith.constant 1 : i32
      scf.for %parallel_loop3A_82 = %parallel_loop3A_73 to %parallel_loop3A_74 step %parallel_loop3A_75  : i32 {
        %parallel_loop3A_83 = arith.constant 16 : i32
        %parallel_loop3A_84 = arith.muli %parallel_loop3A_82, %parallel_loop3A_83 : i32
        %parallel_loop3A_85 = arith.constant 0 : i32
        %parallel_loop3A_86 = arith.index_cast %parallel_loop3A_85 : i32 to index
        %parallel_loop3A_87 = arith.index_cast %parallel_loop3A_84 : i32 to index
        %parallel_loop3A_88 = tpu.vector_load %arg5[%parallel_loop3A_86, %parallel_loop3A_87] {strides = array<i32>} : memref<2x1024xf32, #tpu.memory_space<vmem>>, vector<1x16xf32>,
        %parallel_loop3A_89 = vector.shape_cast %parallel_loop3A_88 : vector<1x16xf32> to vector<16xf32>
        %parallel_loop3A_90 = arith.constant 0 : i32
        %parallel_loop3A_91 = arith.constant 0 : i32
        %parallel_loop3A_92 = arith.index_cast %parallel_loop3A_90 : i32 to index
        %parallel_loop3A_93 = arith.index_cast %parallel_loop3A_91 : i32 to index
        %parallel_loop3A_94 = arith.index_cast %parallel_loop3A_84 : i32 to index
        %parallel_loop3A_95 = tpu.vector_load %arg7[%parallel_loop3A_92, %parallel_loop3A_93, %parallel_loop3A_94] {strides = array<i32>} : memref<8x2x1024xf32, #tpu.memory_space<vmem>>, vector<1x1x16xf32>,
        %parallel_loop3A_96 = vector.shape_cast %parallel_loop3A_95 : vector<1x1x16xf32> to vector<16xf32>
        %parallel_loop3A_97 = arith.addf %parallel_loop3A_96, %parallel_loop3A_89 : vector<16xf32>
        %parallel_loop3A_98 = arith.constant 0 : i32
        %parallel_loop3A_99 = arith.constant 0 : i32
        %parallel_loop3A_100 = arith.index_cast %parallel_loop3A_98 : i32 to index
        %parallel_loop3A_101 = arith.index_cast %parallel_loop3A_99 : i32 to index
        %parallel_loop3A_102 = arith.index_cast %parallel_loop3A_84 : i32 to index
        %parallel_loop3A_103 = tpu.vector_load %arg9[%parallel_loop3A_100, %parallel_loop3A_101, %parallel_loop3A_102] {strides = array<i32>} : memref<8x2x1024xf32, #tpu.memory_space<vmem>>, vector<1x1x16xf32>,
        %parallel_loop3A_104 = vector.shape_cast %parallel_loop3A_103 : vector<1x1x16xf32> to vector<16xf32>
        %parallel_loop3A_105 = vector.shape_cast %parallel_loop3A_97 : vector<16xf32> to vector<1x1x16xf32>
        tpu.vector_store %arg9[%parallel_loop3A_100, %parallel_loop3A_101, %parallel_loop3A_102], %parallel_loop3A_105 {strides = array<i32>} : memref<8x2x1024xf32, #tpu.memory_space<vmem>>, vector<1x1x16xf32>,
        %parallel_loop3A_106 = arith.constant 1 : i32
        %parallel_loop3A_107 = arith.constant 0 : i32
        %parallel_loop3A_108 = arith.index_cast %parallel_loop3A_106 : i32 to index
        %parallel_loop3A_109 = arith.index_cast %parallel_loop3A_107 : i32 to index
        %parallel_loop3A_110 = arith.index_cast %parallel_loop3A_84 : i32 to index
        %parallel_loop3A_111 = tpu.vector_load %arg7[%parallel_loop3A_108, %parallel_loop3A_109, %parallel_loop3A_110] {strides = array<i32>} : memref<8x2x1024xf32, #tpu.memory_space<vmem>>, vector<1x1x16xf32>,
        %parallel_loop3A_112 = vector.shape_cast %parallel_loop3A_111 : vector<1x1x16xf32> to vector<16xf32>
        %parallel_loop3A_113 = arith.addf %parallel_loop3A_112, %parallel_loop3A_89 : vector<16xf32>
        %parallel_loop3A_114 = arith.constant 1 : i32
        %parallel_loop3A_115 = arith.constant 0 : i32
        %parallel_loop3A_116 = arith.index_cast %parallel_loop3A_114 : i32 to index
        %parallel_loop3A_117 = arith.index_cast %parallel_loop3A_115 : i32 to index
        %parallel_loop3A_118 = arith.index_cast %parallel_loop3A_84 : i32 to index
        %parallel_loop3A_119 = tpu.vector_load %arg9[%parallel_loop3A_116, %parallel_loop3A_117, %parallel_loop3A_118] {strides = array<i32>} : memref<8x2x1024xf32, #tpu.memory_space<vmem>>, vector<1x1x16xf32>,
        %parallel_loop3A_120 = vector.shape_cast %parallel_loop3A_119 : vector<1x1x16xf32> to vector<16xf32>
        %parallel_loop3A_121 = vector.shape_cast %parallel_loop3A_113 : vector<16xf32> to vector<1x1x16xf32>
        tpu.vector_store %arg9[%parallel_loop3A_116, %parallel_loop3A_117, %parallel_loop3A_118], %parallel_loop3A_121 {strides = array<i32>} : memref<8x2x1024xf32, #tpu.memory_space<vmem>>, vector<1x1x16xf32>,
        %parallel_loop3A_122 = arith.constant 2 : i32
        %parallel_loop3A_123 = arith.constant 0 : i32
        %parallel_loop3A_124 = arith.index_cast %parallel_loop3A_122 : i32 to index
        %parallel_loop3A_125 = arith.index_cast %parallel_loop3A_123 : i32 to index
        %parallel_loop3A_126 = arith.index_cast %parallel_loop3A_84 : i32 to index
        %parallel_loop3A_127 = tpu.vector_load %arg7[%parallel_loop3A_124, %parallel_loop3A_125, %parallel_loop3A_126] {strides = array<i32>} : memref<8x2x1024xf32, #tpu.memory_space<vmem>>, vector<1x1x16xf32>,
        %parallel_loop3A_128 = vector.shape_cast %parallel_loop3A_127 : vector<1x1x16xf32> to vector<16xf32>
        %parallel_loop3A_129 = arith.addf %parallel_loop3A_128, %parallel_loop3A_89 : vector<16xf32>
        %parallel_loop3A_130 = arith.constant 2 : i32
        %parallel_loop3A_131 = arith.constant 0 : i32
        %parallel_loop3A_132 = arith.index_cast %parallel_loop3A_130 : i32 to index
        %parallel_loop3A_133 = arith.index_cast %parallel_loop3A_131 : i32 to index
        %parallel_loop3A_134 = arith.index_cast %parallel_loop3A_84 : i32 to index
        %parallel_loop3A_135 = tpu.vector_load %arg9[%parallel_loop3A_132, %parallel_loop3A_133, %parallel_loop3A_134] {strides = array<i32>} : memref<8x2x1024xf32, #tpu.memory_space<vmem>>, vector<1x1x16xf32>,
        %parallel_loop3A_136 = vector.shape_cast %parallel_loop3A_135 : vector<1x1x16xf32> to vector<16xf32>
        %parallel_loop3A_137 = vector.shape_cast %parallel_loop3A_129 : vector<16xf32> to vector<1x1x16xf32>
        tpu.vector_store %arg9[%parallel_loop3A_132, %parallel_loop3A_133, %parallel_loop3A_134], %parallel_loop3A_137 {strides = array<i32>} : memref<8x2x1024xf32, #tpu.memory_space<vmem>>, vector<1x1x16xf32>,
        %parallel_loop3A_138 = arith.constant 3 : i32
        %parallel_loop3A_139 = arith.constant 0 : i32
        %parallel_loop3A_140 = arith.index_cast %parallel_loop3A_138 : i32 to index
        %parallel_loop3A_141 = arith.index_cast %parallel_loop3A_139 : i32 to index
        %parallel_loop3A_142 = arith.index_cast %parallel_loop3A_84 : i32 to index
        %parallel_loop3A_143 = tpu.vector_load %arg7[%parallel_loop3A_140, %parallel_loop3A_141, %parallel_loop3A_142] {strides = array<i32>} : memref<8x2x1024xf32, #tpu.memory_space<vmem>>, vector<1x1x16xf32>,
        %parallel_loop3A_144 = vector.shape_cast %parallel_loop3A_143 : vector<1x1x16xf32> to vector<16xf32>
        %parallel_loop3A_145 = arith.addf %parallel_loop3A_144, %parallel_loop3A_89 : vector<16xf32>
        %parallel_loop3A_146 = arith.constant 3 : i32
        %parallel_loop3A_147 = arith.constant 0 : i32
        %parallel_loop3A_148 = arith.index_cast %parallel_loop3A_146 : i32 to index
        %parallel_loop3A_149 = arith.index_cast %parallel_loop3A_147 : i32 to index
        %parallel_loop3A_150 = arith.index_cast %parallel_loop3A_84 : i32 to index
        %parallel_loop3A_151 = tpu.vector_load %arg9[%parallel_loop3A_148, %parallel_loop3A_149, %parallel_loop3A_150] {strides = array<i32>} : memref<8x2x1024xf32, #tpu.memory_space<vmem>>, vector<1x1x16xf32>,
        %parallel_loop3A_152 = vector.shape_cast %parallel_loop3A_151 : vector<1x1x16xf32> to vector<16xf32>
        %parallel_loop3A_153 = vector.shape_cast %parallel_loop3A_145 : vector<16xf32> to vector<1x1x16xf32>
        tpu.vector_store %arg9[%parallel_loop3A_148, %parallel_loop3A_149, %parallel_loop3A_150], %parallel_loop3A_153 {strides = array<i32>} : memref<8x2x1024xf32, #tpu.memory_space<vmem>>, vector<1x1x16xf32>,
        %parallel_loop3A_154 = arith.constant 4 : i32
        %parallel_loop3A_155 = arith.constant 0 : i32
        %parallel_loop3A_156 = arith.index_cast %parallel_loop3A_154 : i32 to index
        %parallel_loop3A_157 = arith.index_cast %parallel_loop3A_155 : i32 to index
        %parallel_loop3A_158 = arith.index_cast %parallel_loop3A_84 : i32 to index
        %parallel_loop3A_159 = tpu.vector_load %arg7[%parallel_loop3A_156, %parallel_loop3A_157, %parallel_loop3A_158] {strides = array<i32>} : memref<8x2x1024xf32, #tpu.memory_space<vmem>>, vector<1x1x16xf32>,
        %parallel_loop3A_160 = vector.shape_cast %parallel_loop3A_159 : vector<1x1x16xf32> to vector<16xf32>
        %parallel_loop3A_161 = arith.addf %parallel_loop3A_160, %parallel_loop3A_89 : vector<16xf32>
        %parallel_loop3A_162 = arith.constant 4 : i32
        %parallel_loop3A_163 = arith.constant 0 : i32
        %parallel_loop3A_164 = arith.index_cast %parallel_loop3A_162 : i32 to index
        %parallel_loop3A_165 = arith.index_cast %parallel_loop3A_163 : i32 to index
        %parallel_loop3A_166 = arith.index_cast %parallel_loop3A_84 : i32 to index
        %parallel_loop3A_167 = tpu.vector_load %arg9[%parallel_loop3A_164, %parallel_loop3A_165, %parallel_loop3A_166] {strides = array<i32>} : memref<8x2x1024xf32, #tpu.memory_space<vmem>>, vector<1x1x16xf32>,
        %parallel_loop3A_168 = vector.shape_cast %parallel_loop3A_167 : vector<1x1x16xf32> to vector<16xf32>
        %parallel_loop3A_169 = vector.shape_cast %parallel_loop3A_161 : vector<16xf32> to vector<1x1x16xf32>
        tpu.vector_store %arg9[%parallel_loop3A_164, %parallel_loop3A_165, %parallel_loop3A_166], %parallel_loop3A_169 {strides = array<i32>} : memref<8x2x1024xf32, #tpu.memory_space<vmem>>, vector<1x1x16xf32>,
        %parallel_loop3A_170 = arith.constant 5 : i32
        %parallel_loop3A_171 = arith.constant 0 : i32
        %parallel_loop3A_172 = arith.index_cast %parallel_loop3A_170 : i32 to index
        %parallel_loop3A_173 = arith.index_cast %parallel_loop3A_171 : i32 to index
        %parallel_loop3A_174 = arith.index_cast %parallel_loop3A_84 : i32 to index
        %parallel_loop3A_175 = tpu.vector_load %arg7[%parallel_loop3A_172, %parallel_loop3A_173, %parallel_loop3A_174] {strides = array<i32>} : memref<8x2x1024xf32, #tpu.memory_space<vmem>>, vector<1x1x16xf32>,
        %parallel_loop3A_176 = vector.shape_cast %parallel_loop3A_175 : vector<1x1x16xf32> to vector<16xf32>
        %parallel_loop3A_177 = arith.addf %parallel_loop3A_176, %parallel_loop3A_89 : vector<16xf32>
        %parallel_loop3A_178 = arith.constant 5 : i32
        %parallel_loop3A_179 = arith.constant 0 : i32
        %parallel_loop3A_180 = arith.index_cast %parallel_loop3A_178 : i32 to index
        %parallel_loop3A_181 = arith.index_cast %parallel_loop3A_179 : i32 to index
        %parallel_loop3A_182 = arith.index_cast %parallel_loop3A_84 : i32 to index
        %parallel_loop3A_183 = tpu.vector_load %arg9[%parallel_loop3A_180, %parallel_loop3A_181, %parallel_loop3A_182] {strides = array<i32>} : memref<8x2x1024xf32, #tpu.memory_space<vmem>>, vector<1x1x16xf32>,
        %parallel_loop3A_184 = vector.shape_cast %parallel_loop3A_183 : vector<1x1x16xf32> to vector<16xf32>
        %parallel_loop3A_185 = vector.shape_cast %parallel_loop3A_177 : vector<16xf32> to vector<1x1x16xf32>
        tpu.vector_store %arg9[%parallel_loop3A_180, %parallel_loop3A_181, %parallel_loop3A_182], %parallel_loop3A_185 {strides = array<i32>} : memref<8x2x1024xf32, #tpu.memory_space<vmem>>, vector<1x1x16xf32>,
        %parallel_loop3A_186 = arith.constant 6 : i32
        %parallel_loop3A_187 = arith.constant 0 : i32
        %parallel_loop3A_188 = arith.index_cast %parallel_loop3A_186 : i32 to index
        %parallel_loop3A_189 = arith.index_cast %parallel_loop3A_187 : i32 to index
        %parallel_loop3A_190 = arith.index_cast %parallel_loop3A_84 : i32 to index
        %parallel_loop3A_191 = tpu.vector_load %arg7[%parallel_loop3A_188, %parallel_loop3A_189, %parallel_loop3A_190] {strides = array<i32>} : memref<8x2x1024xf32, #tpu.memory_space<vmem>>, vector<1x1x16xf32>,
        %parallel_loop3A_192 = vector.shape_cast %parallel_loop3A_191 : vector<1x1x16xf32> to vector<16xf32>
        %parallel_loop3A_193 = arith.addf %parallel_loop3A_192, %parallel_loop3A_89 : vector<16xf32>
        %parallel_loop3A_194 = arith.constant 6 : i32
        %parallel_loop3A_195 = arith.constant 0 : i32
        %parallel_loop3A_196 = arith.index_cast %parallel_loop3A_194 : i32 to index
        %parallel_loop3A_197 = arith.index_cast %parallel_loop3A_195 : i32 to index
        %parallel_loop3A_198 = arith.index_cast %parallel_loop3A_84 : i32 to index
        %parallel_loop3A_199 = tpu.vector_load %arg9[%parallel_loop3A_196, %parallel_loop3A_197, %parallel_loop3A_198] {strides = array<i32>} : memref<8x2x1024xf32, #tpu.memory_space<vmem>>, vector<1x1x16xf32>,
        %parallel_loop3A_200 = vector.shape_cast %parallel_loop3A_199 : vector<1x1x16xf32> to vector<16xf32>
        %parallel_loop3A_201 = vector.shape_cast %parallel_loop3A_193 : vector<16xf32> to vector<1x1x16xf32>
        tpu.vector_store %arg9[%parallel_loop3A_196, %parallel_loop3A_197, %parallel_loop3A_198], %parallel_loop3A_201 {strides = array<i32>} : memref<8x2x1024xf32, #tpu.memory_space<vmem>>, vector<1x1x16xf32>,
        %parallel_loop3A_202 = arith.constant 7 : i32
        %parallel_loop3A_203 = arith.constant 0 : i32
        %parallel_loop3A_204 = arith.index_cast %parallel_loop3A_202 : i32 to index
        %parallel_loop3A_205 = arith.index_cast %parallel_loop3A_203 : i32 to index
        %parallel_loop3A_206 = arith.index_cast %parallel_loop3A_84 : i32 to index
        %parallel_loop3A_207 = tpu.vector_load %arg7[%parallel_loop3A_204, %parallel_loop3A_205, %parallel_loop3A_206] {strides = array<i32>} : memref<8x2x1024xf32, #tpu.memory_space<vmem>>, vector<1x1x16xf32>,
        %parallel_loop3A_208 = vector.shape_cast %parallel_loop3A_207 : vector<1x1x16xf32> to vector<16xf32>
        %parallel_loop3A_209 = arith.addf %parallel_loop3A_208, %parallel_loop3A_89 : vector<16xf32>
        %parallel_loop3A_210 = arith.constant 7 : i32
        %parallel_loop3A_211 = arith.constant 0 : i32
        %parallel_loop3A_212 = arith.index_cast %parallel_loop3A_210 : i32 to index
        %parallel_loop3A_213 = arith.index_cast %parallel_loop3A_211 : i32 to index
        %parallel_loop3A_214 = arith.index_cast %parallel_loop3A_84 : i32 to index
        %parallel_loop3A_215 = tpu.vector_load %arg9[%parallel_loop3A_212, %parallel_loop3A_213, %parallel_loop3A_214] {strides = array<i32>} : memref<8x2x1024xf32, #tpu.memory_space<vmem>>, vector<1x1x16xf32>,
        %parallel_loop3A_216 = vector.shape_cast %parallel_loop3A_215 : vector<1x1x16xf32> to vector<16xf32>
        %parallel_loop3A_217 = vector.shape_cast %parallel_loop3A_209 : vector<16xf32> to vector<1x1x16xf32>
        tpu.vector_store %arg9[%parallel_loop3A_212, %parallel_loop3A_213, %parallel_loop3A_214], %parallel_loop3A_217 {strides = array<i32>} : memref<8x2x1024xf32, #tpu.memory_space<vmem>>, vector<1x1x16xf32>,
        %parallel_loop3A_218 = arith.constant 1 : i32
        %parallel_loop3A_219 = arith.index_cast %parallel_loop3A_218 : i32 to index
        %parallel_loop3A_220 = arith.index_cast %parallel_loop3A_84 : i32 to index
        %parallel_loop3A_221 = tpu.vector_load %arg5[%parallel_loop3A_219, %parallel_loop3A_220] {strides = array<i32>} : memref<2x1024xf32, #tpu.memory_space<vmem>>, vector<1x16xf32>,
        %parallel_loop3A_222 = vector.shape_cast %parallel_loop3A_221 : vector<1x16xf32> to vector<16xf32>
        %parallel_loop3A_223 = arith.constant 0 : i32
        %parallel_loop3A_224 = arith.constant 1 : i32
        %parallel_loop3A_225 = arith.index_cast %parallel_loop3A_223 : i32 to index
        %parallel_loop3A_226 = arith.index_cast %parallel_loop3A_224 : i32 to index
        %parallel_loop3A_227 = arith.index_cast %parallel_loop3A_84 : i32 to index
        %parallel_loop3A_228 = tpu.vector_load %arg7[%parallel_loop3A_225, %parallel_loop3A_226, %parallel_loop3A_227] {strides = array<i32>} : memref<8x2x1024xf32, #tpu.memory_space<vmem>>, vector<1x1x16xf32>,
        %parallel_loop3A_229 = vector.shape_cast %parallel_loop3A_228 : vector<1x1x16xf32> to vector<16xf32>
        %parallel_loop3A_230 = arith.addf %parallel_loop3A_229, %parallel_loop3A_222 : vector<16xf32>
        %parallel_loop3A_231 = arith.constant 0 : i32
        %parallel_loop3A_232 = arith.constant 1 : i32
        %parallel_loop3A_233 = arith.index_cast %parallel_loop3A_231 : i32 to index
        %parallel_loop3A_234 = arith.index_cast %parallel_loop3A_232 : i32 to index
        %parallel_loop3A_235 = arith.index_cast %parallel_loop3A_84 : i32 to index
        %parallel_loop3A_236 = tpu.vector_load %arg9[%parallel_loop3A_233, %parallel_loop3A_234, %parallel_loop3A_235] {strides = array<i32>} : memref<8x2x1024xf32, #tpu.memory_space<vmem>>, vector<1x1x16xf32>,
        %parallel_loop3A_237 = vector.shape_cast %parallel_loop3A_236 : vector<1x1x16xf32> to vector<16xf32>
        %parallel_loop3A_238 = vector.shape_cast %parallel_loop3A_230 : vector<16xf32> to vector<1x1x16xf32>
        tpu.vector_store %arg9[%parallel_loop3A_233, %parallel_loop3A_234, %parallel_loop3A_235], %parallel_loop3A_238 {strides = array<i32>} : memref<8x2x1024xf32, #tpu.memory_space<vmem>>, vector<1x1x16xf32>,
        %parallel_loop3A_239 = arith.constant 1 : i32
        %parallel_loop3A_240 = arith.constant 1 : i32
        %parallel_loop3A_241 = arith.index_cast %parallel_loop3A_239 : i32 to index
        %parallel_loop3A_242 = arith.index_cast %parallel_loop3A_240 : i32 to index
        %parallel_loop3A_243 = arith.index_cast %parallel_loop3A_84 : i32 to index
        %parallel_loop3A_244 = tpu.vector_load %arg7[%parallel_loop3A_241, %parallel_loop3A_242, %parallel_loop3A_243] {strides = array<i32>} : memref<8x2x1024xf32, #tpu.memory_space<vmem>>, vector<1x1x16xf32>,
        %parallel_loop3A_245 = vector.shape_cast %parallel_loop3A_244 : vector<1x1x16xf32> to vector<16xf32>
        %parallel_loop3A_246 = arith.addf %parallel_loop3A_245, %parallel_loop3A_222 : vector<16xf32>
        %parallel_loop3A_247 = arith.constant 1 : i32
        %parallel_loop3A_248 = arith.constant 1 : i32
        %parallel_loop3A_249 = arith.index_cast %parallel_loop3A_247 : i32 to index
        %parallel_loop3A_250 = arith.index_cast %parallel_loop3A_248 : i32 to index
        %parallel_loop3A_251 = arith.index_cast %parallel_loop3A_84 : i32 to index
        %parallel_loop3A_252 = tpu.vector_load %arg9[%parallel_loop3A_249, %parallel_loop3A_250, %parallel_loop3A_251] {strides = array<i32>} : memref<8x2x1024xf32, #tpu.memory_space<vmem>>, vector<1x1x16xf32>,
        %parallel_loop3A_253 = vector.shape_cast %parallel_loop3A_252 : vector<1x1x16xf32> to vector<16xf32>
        %parallel_loop3A_254 = vector.shape_cast %parallel_loop3A_246 : vector<16xf32> to vector<1x1x16xf32>
        tpu.vector_store %arg9[%parallel_loop3A_249, %parallel_loop3A_250, %parallel_loop3A_251], %parallel_loop3A_254 {strides = array<i32>} : memref<8x2x1024xf32, #tpu.memory_space<vmem>>, vector<1x1x16xf32>,
        %parallel_loop3A_255 = arith.constant 2 : i32
        %parallel_loop3A_256 = arith.constant 1 : i32
        %parallel_loop3A_257 = arith.index_cast %parallel_loop3A_255 : i32 to index
        %parallel_loop3A_258 = arith.index_cast %parallel_loop3A_256 : i32 to index
        %parallel_loop3A_259 = arith.index_cast %parallel_loop3A_84 : i32 to index
        %parallel_loop3A_260 = tpu.vector_load %arg7[%parallel_loop3A_257, %parallel_loop3A_258, %parallel_loop3A_259] {strides = array<i32>} : memref<8x2x1024xf32, #tpu.memory_space<vmem>>, vector<1x1x16xf32>,
        %parallel_loop3A_261 = vector.shape_cast %parallel_loop3A_260 : vector<1x1x16xf32> to vector<16xf32>
        %parallel_loop3A_262 = arith.addf %parallel_loop3A_261, %parallel_loop3A_222 : vector<16xf32>
        %parallel_loop3A_263 = arith.constant 2 : i32
        %parallel_loop3A_264 = arith.constant 1 : i32
        %parallel_loop3A_265 = arith.index_cast %parallel_loop3A_263 : i32 to index
        %parallel_loop3A_266 = arith.index_cast %parallel_loop3A_264 : i32 to index
        %parallel_loop3A_267 = arith.index_cast %parallel_loop3A_84 : i32 to index
        %parallel_loop3A_268 = tpu.vector_load %arg9[%parallel_loop3A_265, %parallel_loop3A_266, %parallel_loop3A_267] {strides = array<i32>} : memref<8x2x1024xf32, #tpu.memory_space<vmem>>, vector<1x1x16xf32>,
        %parallel_loop3A_269 = vector.shape_cast %parallel_loop3A_268 : vector<1x1x16xf32> to vector<16xf32>
        %parallel_loop3A_270 = vector.shape_cast %parallel_loop3A_262 : vector<16xf32> to vector<1x1x16xf32>
        tpu.vector_store %arg9[%parallel_loop3A_265, %parallel_loop3A_266, %parallel_loop3A_267], %parallel_loop3A_270 {strides = array<i32>} : memref<8x2x1024xf32, #tpu.memory_space<vmem>>, vector<1x1x16xf32>,
        %parallel_loop3A_271 = arith.constant 3 : i32
        %parallel_loop3A_272 = arith.constant 1 : i32
        %parallel_loop3A_273 = arith.index_cast %parallel_loop3A_271 : i32 to index
        %parallel_loop3A_274 = arith.index_cast %parallel_loop3A_272 : i32 to index
        %parallel_loop3A_275 = arith.index_cast %parallel_loop3A_84 : i32 to index
        %parallel_loop3A_276 = tpu.vector_load %arg7[%parallel_loop3A_273, %parallel_loop3A_274, %parallel_loop3A_275] {strides = array<i32>} : memref<8x2x1024xf32, #tpu.memory_space<vmem>>, vector<1x1x16xf32>,
        %parallel_loop3A_277 = vector.shape_cast %parallel_loop3A_276 : vector<1x1x16xf32> to vector<16xf32>
        %parallel_loop3A_278 = arith.addf %parallel_loop3A_277, %parallel_loop3A_222 : vector<16xf32>
        %parallel_loop3A_279 = arith.constant 3 : i32
        %parallel_loop3A_280 = arith.constant 1 : i32
        %parallel_loop3A_281 = arith.index_cast %parallel_loop3A_279 : i32 to index
        %parallel_loop3A_282 = arith.index_cast %parallel_loop3A_280 : i32 to index
        %parallel_loop3A_283 = arith.index_cast %parallel_loop3A_84 : i32 to index
        %parallel_loop3A_284 = tpu.vector_load %arg9[%parallel_loop3A_281, %parallel_loop3A_282, %parallel_loop3A_283] {strides = array<i32>} : memref<8x2x1024xf32, #tpu.memory_space<vmem>>, vector<1x1x16xf32>,
        %parallel_loop3A_285 = vector.shape_cast %parallel_loop3A_284 : vector<1x1x16xf32> to vector<16xf32>
        %parallel_loop3A_286 = vector.shape_cast %parallel_loop3A_278 : vector<16xf32> to vector<1x1x16xf32>
        tpu.vector_store %arg9[%parallel_loop3A_281, %parallel_loop3A_282, %parallel_loop3A_283], %parallel_loop3A_286 {strides = array<i32>} : memref<8x2x1024xf32, #tpu.memory_space<vmem>>, vector<1x1x16xf32>,
        %parallel_loop3A_287 = arith.constant 4 : i32
        %parallel_loop3A_288 = arith.constant 1 : i32
        %parallel_loop3A_289 = arith.index_cast %parallel_loop3A_287 : i32 to index
        %parallel_loop3A_290 = arith.index_cast %parallel_loop3A_288 : i32 to index
        %parallel_loop3A_291 = arith.index_cast %parallel_loop3A_84 : i32 to index
        %parallel_loop3A_292 = tpu.vector_load %arg7[%parallel_loop3A_289, %parallel_loop3A_290, %parallel_loop3A_291] {strides = array<i32>} : memref<8x2x1024xf32, #tpu.memory_space<vmem>>, vector<1x1x16xf32>,
        %parallel_loop3A_293 = vector.shape_cast %parallel_loop3A_292 : vector<1x1x16xf32> to vector<16xf32>
        %parallel_loop3A_294 = arith.addf %parallel_loop3A_293, %parallel_loop3A_222 : vector<16xf32>
        %parallel_loop3A_295 = arith.constant 4 : i32
        %parallel_loop3A_296 = arith.constant 1 : i32
        %parallel_loop3A_297 = arith.index_cast %parallel_loop3A_295 : i32 to index
        %parallel_loop3A_298 = arith.index_cast %parallel_loop3A_296 : i32 to index
        %parallel_loop3A_299 = arith.index_cast %parallel_loop3A_84 : i32 to index
        %parallel_loop3A_300 = tpu.vector_load %arg9[%parallel_loop3A_297, %parallel_loop3A_298, %parallel_loop3A_299] {strides = array<i32>} : memref<8x2x1024xf32, #tpu.memory_space<vmem>>, vector<1x1x16xf32>,
        %parallel_loop3A_301 = vector.shape_cast %parallel_loop3A_300 : vector<1x1x16xf32> to vector<16xf32>
        %parallel_loop3A_302 = vector.shape_cast %parallel_loop3A_294 : vector<16xf32> to vector<1x1x16xf32>
        tpu.vector_store %arg9[%parallel_loop3A_297, %parallel_loop3A_298, %parallel_loop3A_299], %parallel_loop3A_302 {strides = array<i32>} : memref<8x2x1024xf32, #tpu.memory_space<vmem>>, vector<1x1x16xf32>,
        %parallel_loop3A_303 = arith.constant 5 : i32
        %parallel_loop3A_304 = arith.constant 1 : i32
        %parallel_loop3A_305 = arith.index_cast %parallel_loop3A_303 : i32 to index
        %parallel_loop3A_306 = arith.index_cast %parallel_loop3A_304 : i32 to index
        %parallel_loop3A_307 = arith.index_cast %parallel_loop3A_84 : i32 to index
        %parallel_loop3A_308 = tpu.vector_load %arg7[%parallel_loop3A_305, %parallel_loop3A_306, %parallel_loop3A_307] {strides = array<i32>} : memref<8x2x1024xf32, #tpu.memory_space<vmem>>, vector<1x1x16xf32>,
        %parallel_loop3A_309 = vector.shape_cast %parallel_loop3A_308 : vector<1x1x16xf32> to vector<16xf32>
        %parallel_loop3A_310 = arith.addf %parallel_loop3A_309, %parallel_loop3A_222 : vector<16xf32>
        %parallel_loop3A_311 = arith.constant 5 : i32
        %parallel_loop3A_312 = arith.constant 1 : i32
        %parallel_loop3A_313 = arith.index_cast %parallel_loop3A_311 : i32 to index
        %parallel_loop3A_314 = arith.index_cast %parallel_loop3A_312 : i32 to index
        %parallel_loop3A_315 = arith.index_cast %parallel_loop3A_84 : i32 to index
        %parallel_loop3A_316 = tpu.vector_load %arg9[%parallel_loop3A_313, %parallel_loop3A_314, %parallel_loop3A_315] {strides = array<i32>} : memref<8x2x1024xf32, #tpu.memory_space<vmem>>, vector<1x1x16xf32>,
        %parallel_loop3A_317 = vector.shape_cast %parallel_loop3A_316 : vector<1x1x16xf32> to vector<16xf32>
        %parallel_loop3A_318 = vector.shape_cast %parallel_loop3A_310 : vector<16xf32> to vector<1x1x16xf32>
        tpu.vector_store %arg9[%parallel_loop3A_313, %parallel_loop3A_314, %parallel_loop3A_315], %parallel_loop3A_318 {strides = array<i32>} : memref<8x2x1024xf32, #tpu.memory_space<vmem>>, vector<1x1x16xf32>,
        %parallel_loop3A_319 = arith.constant 6 : i32
        %parallel_loop3A_320 = arith.constant 1 : i32
        %parallel_loop3A_321 = arith.index_cast %parallel_loop3A_319 : i32 to index
        %parallel_loop3A_322 = arith.index_cast %parallel_loop3A_320 : i32 to index
        %parallel_loop3A_323 = arith.index_cast %parallel_loop3A_84 : i32 to index
        %parallel_loop3A_324 = tpu.vector_load %arg7[%parallel_loop3A_321, %parallel_loop3A_322, %parallel_loop3A_323] {strides = array<i32>} : memref<8x2x1024xf32, #tpu.memory_space<vmem>>, vector<1x1x16xf32>,
        %parallel_loop3A_325 = vector.shape_cast %parallel_loop3A_324 : vector<1x1x16xf32> to vector<16xf32>
        %parallel_loop3A_326 = arith.addf %parallel_loop3A_325, %parallel_loop3A_222 : vector<16xf32>
        %parallel_loop3A_327 = arith.constant 6 : i32
        %parallel_loop3A_328 = arith.constant 1 : i32
        %parallel_loop3A_329 = arith.index_cast %parallel_loop3A_327 : i32 to index
        %parallel_loop3A_330 = arith.index_cast %parallel_loop3A_328 : i32 to index
        %parallel_loop3A_331 = arith.index_cast %parallel_loop3A_84 : i32 to index
        %parallel_loop3A_332 = tpu.vector_load %arg9[%parallel_loop3A_329, %parallel_loop3A_330, %parallel_loop3A_331] {strides = array<i32>} : memref<8x2x1024xf32, #tpu.memory_space<vmem>>, vector<1x1x16xf32>,
        %parallel_loop3A_333 = vector.shape_cast %parallel_loop3A_332 : vector<1x1x16xf32> to vector<16xf32>
        %parallel_loop3A_334 = vector.shape_cast %parallel_loop3A_326 : vector<16xf32> to vector<1x1x16xf32>
        tpu.vector_store %arg9[%parallel_loop3A_329, %parallel_loop3A_330, %parallel_loop3A_331], %parallel_loop3A_334 {strides = array<i32>} : memref<8x2x1024xf32, #tpu.memory_space<vmem>>, vector<1x1x16xf32>,
        %parallel_loop3A_335 = arith.constant 7 : i32
        %parallel_loop3A_336 = arith.constant 1 : i32
        %parallel_loop3A_337 = arith.index_cast %parallel_loop3A_335 : i32 to index
        %parallel_loop3A_338 = arith.index_cast %parallel_loop3A_336 : i32 to index
        %parallel_loop3A_339 = arith.index_cast %parallel_loop3A_84 : i32 to index
        %parallel_loop3A_340 = tpu.vector_load %arg7[%parallel_loop3A_337, %parallel_loop3A_338, %parallel_loop3A_339] {strides = array<i32>} : memref<8x2x1024xf32, #tpu.memory_space<vmem>>, vector<1x1x16xf32>,
        %parallel_loop3A_341 = vector.shape_cast %parallel_loop3A_340 : vector<1x1x16xf32> to vector<16xf32>
        %parallel_loop3A_342 = arith.addf %parallel_loop3A_341, %parallel_loop3A_222 : vector<16xf32>
        %parallel_loop3A_343 = arith.constant 7 : i32
        %parallel_loop3A_344 = arith.constant 1 : i32
        %parallel_loop3A_345 = arith.index_cast %parallel_loop3A_343 : i32 to index
        %parallel_loop3A_346 = arith.index_cast %parallel_loop3A_344 : i32 to index
        %parallel_loop3A_347 = arith.index_cast %parallel_loop3A_84 : i32 to index
        %parallel_loop3A_348 = tpu.vector_load %arg9[%parallel_loop3A_345, %parallel_loop3A_346, %parallel_loop3A_347] {strides = array<i32>} : memref<8x2x1024xf32, #tpu.memory_space<vmem>>, vector<1x1x16xf32>,
        %parallel_loop3A_349 = vector.shape_cast %parallel_loop3A_348 : vector<1x1x16xf32> to vector<16xf32>
        %parallel_loop3A_350 = vector.shape_cast %parallel_loop3A_342 : vector<16xf32> to vector<1x1x16xf32>
        tpu.vector_store %arg9[%parallel_loop3A_345, %parallel_loop3A_346, %parallel_loop3A_347], %parallel_loop3A_350 {strides = array<i32>} : memref<8x2x1024xf32, #tpu.memory_space<vmem>>, vector<1x1x16xf32>,
      } {sc.loop_unroll_factor = 2 : i64, sc.parallel_access}
      %mul3A_76 = arith.constant 8 : i32
      %mul3A_77 = arith.muli %add3A_54, %mul3A_76 : i32
      %dma_start3A_78 = arith.constant 0 : i32
      %dma_start3A_79 = tpu.memref_slice %arg4[%mul3A_77, %mul3A_2, %dma_start3A_78] : memref<1024x64x1024xf32, #tpu.memory_space<hbm>> -> memref<8x2x1024xf32, #tpu.memory_space<hbm>>
      %dma_start3A_80 = arith.constant 0 : i32
      %dma_start3A_81 = tpu.memref_slice %arg4[%mul3A_77, %mul3A_2, %dma_start3A_80] : memref<1024x64x1024xf32, #tpu.memory_space<hbm>> -> memref<8x2x1024xf32, #tpu.memory_space<hbm>>
      tpu.enqueue_dma source(%arg9 : memref<8x2x1024xf32, #tpu.memory_space<vmem>>) target(%dma_start3A_81 : memref<8x2x1024xf32, #tpu.memory_space<hbm>>) target_semaphore(%arg13 : memref<!tpu.dma_semaphore, #tpu.memory_space<semaphore_mem>>)
    }
    %scan3A_12 = arith.constant 64 : i32
    %dma_wait3A = arith.constant 1008 : i32
    %dma_wait3A_13 = arith.constant 0 : i32
    %dma_wait3A_14 = tpu.memref_slice %arg4[%dma_wait3A, %mul3A_2, %dma_wait3A_13] : memref<1024x64x1024xf32, #tpu.memory_space<hbm>> -> memref<8x2x1024xf32, #tpu.memory_space<hbm>>
    %dma_wait3A_15 = arith.constant 1008 : i32
    %dma_wait3A_16 = arith.constant 0 : i32
    %dma_wait3A_17 = tpu.memref_slice %arg4[%dma_wait3A_15, %mul3A_2, %dma_wait3A_16] : memref<1024x64x1024xf32, #tpu.memory_space<hbm>> -> memref<8x2x1024xf32, #tpu.memory_space<hbm>>
    tpu.wait_dma2 semaphore(%arg12 : memref<!tpu.dma_semaphore, #tpu.memory_space<semaphore_mem>>) src(%arg8 : memref<8x2x1024xf32, #tpu.memory_space<vmem>>) dst(%dma_wait3A_17 : memref<8x2x1024xf32, #tpu.memory_space<hbm>>)
    %dma_wait3A_18 = arith.constant 1016 : i32
    %dma_wait3A_19 = arith.constant 0 : i32
    %dma_wait3A_20 = tpu.memref_slice %arg4[%dma_wait3A_18, %mul3A_2, %dma_wait3A_19] : memref<1024x64x1024xf32, #tpu.memory_space<hbm>> -> memref<8x2x1024xf32, #tpu.memory_space<hbm>>
    %dma_wait3A_21 = arith.constant 1016 : i32
    %dma_wait3A_22 = arith.constant 0 : i32
    %dma_wait3A_23 = tpu.memref_slice %arg4[%dma_wait3A_21, %mul3A_2, %dma_wait3A_22] : memref<1024x64x1024xf32, #tpu.memory_space<hbm>> -> memref<8x2x1024xf32, #tpu.memory_space<hbm>>
    tpu.wait_dma2 semaphore(%arg13 : memref<!tpu.dma_semaphore, #tpu.memory_space<semaphore_mem>>) src(%arg9 : memref<8x2x1024xf32, #tpu.memory_space<vmem>>) dst(%dma_wait3A_23 : memref<8x2x1024xf32, #tpu.memory_space<hbm>>)
    return
  }
}

</mosaic_0001>

<sc_bundles>
// kernel: kernel.3.cloned.1.call-start
scs
__scs_entry_jumppad:
0x0: {  	(pc) =	sbr.rel $0x88, $3  }
0x1: {  	(tag) =	ssettag $0x0;
	lr =	simm.s32 $0x1  }
0x2: {  	[smem:$0x3F9F] =	sst lr;
	_ =	strace $0xD0000000  }
0x3: {  	_ = 	snop  }
0x4: {  	_ = 	snop  }
0x5: {  	_ = 	snop  }
0x6: {  	_ = 	snop  }
0x7: {  	_ = 	snop  }
__scs_overlays_trampoline_lowered:
0x8: {  	[smem:$0x3FAE] =	sst s0  }
0x9: {  	[smem:$0x3FAF] =	sst s1  }
0xa: {  	[smem:$0x3FB0] =	sst s2  }
0xb: {  	[smem:$0x3FB1] =	sst s3  }
0xc: {  	[smem:$0x3FB2] =	sst s4  }
0xd: {  	[smem:$0x3FB3] =	sst s5  }
0xe: {  	[smem:$0x3FB4] =	sst s6  }
0xf: {  	[smem:$0x3FB5] =	sst s7  }
0x10: {  	[smem:$0x3FB6] =	sst s8  }
0x11: {  	[smem:$0x3FB7] =	sst s9;
	s0 =	simm.s32 @!p0 $0x0  }
0x12: {  	s1 =	sld [smem:$0x3F9D];
	s0 =	simm.s32 @p0 $0x1  }
0x13: {  	[smem:$0x3FB8] =	sst s0;
	s0 =	simm.s32 @!p1 $0x0  }
0x14: {  	s2 =	sld [smem:$0x3F9C];
	s0 =	simm.s32 @p1 $0x1  }
0x15: {  	[smem:$0x3FB9] =	sst s0;
	s0 =	simm.s32 @!p2 $0x0  }
0x16: {  	s3 =	sld [smem:$0x3FDB];
	s0 =	simm.s32 @p2 $0x1  }
0x17: {  	s4 =	simm.s32 $0x1BF5;
	[smem:$0x3FBB] =	sst s0  }
0x18: {  	s0 =	sld [smem:$0x3F9E];
	_ =	swait.ge [sflag:s4], $0x0  }
0x19: {  	s7 =	sld [smem:$0x3F9F]  }
0x1a: {  	s8 =	sadd.s32 $0xFFFFE003, lr  }
0x1b: {  	s9 =	sadd.s32 $0xFFFFFEF7, lr;
	s5 =	simm.s32 $0xFFFFFFFF;
	p2 =	slt.u32 s8, $0xFFFFF086  }
0x1c: {  	p1 =	slt.u32 s9, $0xF7A;
	s5 =	simm.s32 @!p2 $0x0  }
0x1d: {  	s5 =	simm.s32 @p1 $0x1;
	p0 =	seq.s32 s7, s2  }
0x1e: {  	s7 =	smul.u32 @!p0 $0xF7A, s2;
	p2 =	seq.s32 @!p0 s5, $0x0  }
0x1f: {  	s9 =	smul.u32 $0xF7A, s1;
	s8 =	simm.s32 @!p0 $0x1BF5;
	p2 =	por !p2, p0  }
0x20: {  	[sflag:s8] =	ssyncset.s32 @!p0 $0xFFFFF086;
	s6 =	sadd.s32 @!p0 s3, s7;
	s7 =	simm.s32 @!p0 $0x108  }
0x21: {  	s3 =	sadd.s32 s3, s9;
	s6 =	sadd.s32 @!p0 $0x88, s6;
	s7 =	simm.s32 @p2 $0x1082  }
0x22: {  	[simem:s7], [sflag:s8] =	dma.local @!p0 [hbm:s6], $0xF7A  }
0x23: {  	s9 =	sor.u32 $0xD0000000, s2;
	s6 =	simm.s32 $0x108;
	_ =	swait.ge @!p0 [sflag:s8], $0x0  }
0x24: {  	s3 =	sadd.s32 $0x88, s3;
	s6 =	simm.s32 @!p1 $0x1082;
	[sflag:s4] =	ssyncset.s32 $0xFFFFF086  }
0x25: {  	[simem:s6], [sflag:s4] =	dma.local [hbm:s3], $0xF7A  }
0x26: {  	[smem:$0x3F9F] =	sst s1;
	(tag) =	ssettag s2;
	_ =	strace s9  }
0x27: {  	s1 =	sld [smem:$0x3FAF]  }
0x28: {  	s2 =	sld [smem:$0x3FB0]  }
0x29: {  	s4 =	sld [smem:$0x3FB2]  }
0x2a: {  	p0 =	seq.s32 s5, $0x0;
	s5 =	sld [smem:$0x3FB3]  }
0x2b: {  	s6 =	sld [smem:$0x3FB4]  }
0x2c: {  	s7 =	sld [smem:$0x3FB5]  }
0x2d: {  	s3 =	simm.s32 $0x108;
	s8 =	sld [smem:$0x3FB6]  }
0x2e: {  	s3 =	simm.s32 @!p0 $0x1082;
	s9 =	sld [smem:$0x3FB7]  }
0x2f: {  	lr =	sadd.s32 s0, s3;
	s0 =	sld [smem:$0x3FAE]  }
0x30: {  	s3 =	sld [smem:$0x3FB1]  }
0x31: {  	[smem:$0x3FBA] =	sst s10  }
0x32: {  	s10 =	sld [smem:$0x3FB8];
	_ =	sdelay $0x3  }
0x33: {  	p0 =	seq.s32 s10, $0x1;
	s10 =	sld [smem:$0x3FBA];
	_ =	sdelay $0x3  }
0x34: {  	[smem:$0x3FBA] =	sst s10  }
0x35: {  	s10 =	sld [smem:$0x3FB9];
	_ =	sdelay $0x3  }
0x36: {  	p1 =	seq.s32 s10, $0x1;
	s10 =	sld [smem:$0x3FBA];
	_ =	sdelay $0x3  }
0x37: {  	[smem:$0x3FBA] =	sst s10  }
0x38: {  	s10 =	sld [smem:$0x3FBB]  }
0x39: {  	_ = 	snop;
	(pc) =	sbr.ind lr, $3  }
0x3a: {  	_ = 	snop  }
0x3b: {  	_ = 	snop  }
0x3c: {  	p2 =	seq.s32 s10, $0x1;
	s10 =	sld [smem:$0x3FBA]  }
0x3d: {  	_ =	shalt  }
0x3e: {  	_ =	shalt  }
0x3f: {  	_ =	shalt  }
0x40: {  	_ =	shalt  }
0x41: {  	_ =	shalt  }
0x42: {  	_ =	shalt  }
0x43: {  	_ =	shalt  }
0x44: {  	_ =	shalt  }
0x45: {  	_ =	shalt  }
0x46: {  	_ =	shalt  }
0x47: {  	_ =	shalt  }
0x48: {  	_ =	shalt  }
0x49: {  	_ =	shalt  }
0x4a: {  	_ =	shalt  }
0x4b: {  	_ =	shalt  }
0x4c: {  	_ =	shalt  }
0x4d: {  	_ =	shalt  }
0x4e: {  	_ =	shalt  }
0x4f: {  	_ =	shalt  }
0x50: {  	_ =	shalt  }
0x51: {  	_ =	shalt  }
0x52: {  	_ =	shalt  }
0x53: {  	_ =	shalt  }
0x54: {  	_ =	shalt  }
0x55: {  	_ =	shalt  }
0x56: {  	_ =	shalt  }
0x57: {  	_ =	shalt  }
0x58: {  	_ =	shalt  }
0x59: {  	_ =	shalt  }
0x5a: {  	_ =	shalt  }
0x5b: {  	_ =	shalt  }
0x5c: {  	_ =	shalt  }
0x5d: {  	_ =	shalt  }
0x5e: {  	_ =	shalt  }
0x5f: {  	_ =	shalt  }
0x60: {  	_ =	shalt  }
0x61: {  	_ =	shalt  }
0x62: {  	_ =	shalt  }
0x63: {  	_ =	shalt  }
0x64: {  	_ =	shalt  }
0x65: {  	_ =	shalt  }
0x66: {  	_ =	shalt  }
0x67: {  	_ =	shalt  }
0x68: {  	_ =	shalt  }
0x69: {  	_ =	shalt  }
0x6a: {  	_ =	shalt  }
0x6b: {  	_ =	shalt  }
0x6c: {  	_ =	shalt  }
0x6d: {  	_ =	shalt  }
0x6e: {  	_ =	shalt  }
0x6f: {  	_ =	shalt  }
0x70: {  	_ =	shalt  }
0x71: {  	_ =	shalt  }
0x72: {  	_ =	shalt  }
0x73: {  	_ =	shalt  }
0x74: {  	_ =	shalt  }
0x75: {  	_ =	shalt  }
0x76: {  	_ =	shalt  }
0x77: {  	_ =	shalt  }
0x78: {  	_ =	shalt  }
0x79: {  	_ =	shalt  }
0x7a: {  	_ =	shalt  }
0x7b: {  	_ =	shalt  }
0x7c: {  	_ =	shalt  }
0x7d: {  	_ =	shalt  }
0x7e: {  	_ =	shalt  }
0x7f: {  	_ =	shalt  }
0x80: {  	_ =	shalt  }
0x81: {  	_ =	shalt  }
0x82: {  	_ =	shalt  }
0x83: {  	_ =	shalt  }
0x84: {  	_ =	shalt  }
0x85: {  	_ =	shalt  }
0x86: {  	_ =	shalt  }
0x87: {  	_ =	shalt  }
.Lfunc_end0:
.L_simem_size_0:
called_computation_lowered:
.L_overlay_start_0:
0x88: {  	s2 =	sld [smem:$0x3FD9]  }
0x89: {  	s3 =	sld [smem:$0x3FFE];
	_ =	sdelay $0x1  }
0x8a: {  	s1 =	srdreg.scid  }
0x8b: {  	s0 =	sand.u32 $0x1, s1  }
0x8c: {  	s18 =	sshll.u32 s0, $0xA;
	s2 =	sadd.s32 s3, s2  }
0x8d: {  	s2 =	sadd.s32 s2, s18  }
0x8e: {  	[smem:$0x3FC6] =	sst s2  }
0x8f: {  	_ = 	snop  }
0x90: {  	s2 =	sld [smem:$0x3FC9]  }
0x91: {  	s19 =	sld [smem:$0x3FC8]  }
0x92: {  	s4 =	sld [smem:$0x3FD0];
	(tm) =	ssettm $0x1  }
0x93: {  	s5 =	sld [smem:$0x3FFB];
	_ =	sdelay $0x3  }
0x94: {  	_ =	strace s5  }
0x95: {  	s5 =	sld [smem:$0x3FFC];
	_ =	sdelay $0x3  }
0x96: {  	_ =	strace s5  }
0x97: {  	s5 =	sld [smem:$0x3FFD];
	_ =	sdelay $0x3  }
0x98: {  	_ =	strace s5  }
0x99: {  	_ =	strace $0x8FFFFFFF  }
0x9a: {  	s20 =	sld [smem:$0x3FDB];
	_ =	sdelay $0x1  }
0x9b: {  	s6 =	simm.s32 $_scs_section_size  }
0x9c: {  	s7 =	simm.s32 $_size__tile_overlayer_lowered;
	s8 =	simm.s32 $_tile_overlayer_lowered  }
0x9d: {  	s23 =	simm.s32 $0x1BFF;
	s22 =	sshll.u32 s8, $0x1;
	s5 =	sadd.s32 s6, s20  }
0x9e: {  	s9 =	simm.s32 $0x0;
	s21 =	sshll.u32 s7, $0x1;
	s7 =	sadd.s32 s22, s5  }
0x9f: {  	[timem:s9], [sflag:s23] =	dma.local [hbm:s7], s21  }
0xa0: {  	_ =	swait.ge [sflag:s23], s21  }
0xa1: {  	s6 =	ssub.s32 $0x0, s21;
	[sflag:s23] =	ssyncset.done $0x0  }
0xa2: {  	[sflag:s23] =	ssyncadd.s32 s6;
	_ =	sdelay $0x1  }
0xa3: {  	s24 =	simm.s32 $0x1B8B  }
0xa4: {  	_ =	swait.ge [sflag:s24], $0x1  }
0xa5: {  	[sflag:s24] =	ssyncset.done $0x0  }
0xa6: {  	s25 =	simm.s32 $0x1B8E;
	[sflag:s24] =	ssyncadd.s32 $0xFFFFFFFF  }
0xa7: {  	s26 =	simm.s32 $execute0_lowered;
	[smem:$0x3FD2] =	sst s25  }
0xa8: {  	s6 =	sshll.u32 s26, $0x1;
	_ =	strace $0x80000046;
	[dreg:$0x1] =	wrdreg $0xFFFFFFFF  }
0xa9: {  	s28 =	simm.s32 $_size_execute0_lowered;
	s5 =	sadd.s32 s5, s6;
	[dreg:$0x0] =	wrdreg $0x0  }
0xaa: {  	s6 =	sshll.u32 s28, $0x1;
	[dreg:$0x2] =	wrdreg s5  }
0xab: {  	[dreg:$0x3] =	wrdreg s6  }
0xac: {  	[dreg:$0x4] =	wrdreg $0xC0  }
0xad: {  	_ =	task [dreg:s9], $0x5FFFF  }
0xae: {  	[dreg:$0x1] =	wrdreg $0xFFFFFFFF  }
0xaf: {  	[dreg:$0x0] =	wrdreg $0x60  }
0xb0: {  	[dreg:$0x2] =	wrdreg s2  }
0xb1: {  	[dreg:$0x3] =	wrdreg s19  }
0xb2: {  	[dreg:$0x4] =	wrdreg s4  }
0xb3: {  	[dreg:$0x5] =	wrdreg $0x9  }
0xb4: {  	_ =	task.clear_ibuf [dreg:s9], $0x6FFFF;
	_ =	strace $0x90000046  }
0xb5: {  	s29 =	simm.s32 $0x9;
	_ =	strace $0x80000048  }
0xb6: {  	_ =	swait.ge [sflag:s29], $0x1  }
0xb7: {  	[sflag:s29] =	ssyncadd.s32 $0xFFFFFFFF  }
0xb8: {  	_ =	strace $0x90000048  }
0xb9: {  	_ =	sfence  }
0xba: {  	s30 =	sld [smem:$0x0];
	_ =	sdelay $0x2  }
0xbb: {  	s31 =	sshll.u32 s1, $0xD;
	s1 =	sshrl.u32 s1, $0x2  }
0xbc: {  	s3 =	sand.u32 $0x4000, s31;
	s1 =	sadd.s32 s1, s30  }
0xbd: {  	s0 =	sor.u32 s3, s0;
	s1 =	sshll.u32 s1, $0x11  }
0xbe: {  	s0 =	sor.u32 s1, s0  }
0xbf: {  	s0 =	sadd.s32 $0x8F2B, s0  }
0xc0: {  	[sflag:s0] =	ssyncadd.remote.s32 $0x1  }
0xc1: {  	_ =	sfence.sel $0xFFFF  }
0xc2: {  	[dreg:$0x0] =	wrdreg $0xFFFFFFFF;
	(pc) =	sbr.abs _section_cstart, $3  }
0xc3: {  	[dreg:$0x1] =	wrdreg $0xFFFFFFFF  }
0xc4: {  	_ =	task.clear_ibuf [dreg:s9], $0x2FFFF;
	_ =	strace $0x9FFFFFFF  }
0xc5: {  	(tm) =	ssettm $0x7FFFFFFF  }
tec
execute0_lowered:
.L_overlay_start_1:
0x0: {  	(tag) =	ssettag $0x1  }
0x1: {  	s1 =	rddreg [dreg:$0x0]  }
0x2: {  	s0 =	rddreg [dreg:$0x1]  }
0x3: {  	s3 =	rddreg [dreg:$0x2];
	s2 =	srdreg.scid  }
0x4: {  	s6 =	stileid.u32;
	s7 =	simm.s32 $0x0;
	s10 =	simm.s32 $0x100  }
0x5: {  	s11 =	simm.s32 $0x400;
	s14 =	simm.s32 $0x1;
	s12 =	simm.s32 $0xC000  }
0x6: {  	s13 =	simm.s32 $0x2;
	s2 =	sand.u32 $0x1, s2;
	s4 =	sshll.u32 s6, $0x9  }
0x7: {  	s6 =	sshll.u32 s6, $0xC;
	s5 =	sshll.u32 s2, $0x8;
	s4 =	sand.u32 $0x200, s4  }
0x8: {  	s2 =	ssub.s32 $0x2, s2;
	s6 =	sand.u32 $0xE000, s6;
	s4 =	sor.u32 s5, s4  }
0x9: {  	[smem:$0x7FF] =	sst s7;
	s20 =	sshrl.u32 s2, $0x1;
	s5 =	sor.u32 s6, s4  }
0xa: {  	_ =	strace $0x80000047;
	s2 =	ssub.s32 s2, s20;
	s22 =	sor.u32 $0x100000, s5  }
0xb: {  	s4 =	sshrl.u32 s5, $0x3;
	s2 =	smax.u32 s2, $0x1;
	[dreg:$0x6] =	wrdreg s22  }
0xc: {  	s15 =	simm.s32 $0x4;
	s0 =	sadd.s32 s0, s4;
	[dreg:$0x7] =	wrdreg s2  }
0xd: {  	s17 =	simm.s32 $0xC800;
	s21 =	sadd.s32 s1, s4;
	[dreg:$0x4] =	wrdreg s0  }
0xe: {  	s19 =	simm.s32 $0xD000;
	s23 =	sadd.s32 $0x2000, s21;
	[dreg:$0x5] =	wrdreg s21  }
0xf: {  	s28 =	simm.s32 $0xF000;
	s24 =	sadd.s32 $0x4000, s21;
	[dreg:$0x8] =	wrdreg s23  }
0x10: {  	s8 =	simm.s32 $0xF800;
	s25 =	sadd.s32 $0x6000, s21;
	[dreg:$0x9] =	wrdreg s24  }
0x11: {  	s29 =	simm.s32 $0x10000;
	s26 =	sadd.s32 $0x8000, s21;
	[dreg:$0xa] =	wrdreg s25  }
0x12: {  	s7 =	simm.s32 $0xB800;
	s30 =	sadd.s32 $0xA000, s21;
	[dreg:$0xb] =	wrdreg s26  }
0x13: {  	s22 =	simm.s32 $0xA000;
	s31 =	sadd.s32 $0xC000, s21;
	[dreg:$0xc] =	wrdreg s30  }
0x14: {  	s2 =	simm.s32 $0x0;
	s0 =	sadd.s32 $0xE000, s21;
	[dreg:$0xd] =	wrdreg s31  }
0x15: {  	s21 =	simm.s32 $0xD800;
	[dreg:$0xe] =	wrdreg s0;
	s24 =	simm.s32 $0xA800  }
0x16: {  	s26 =	simm.s32 $0xB000;
	s23 =	simm.s32 $0xE000;
	s25 =	simm.s32 $0xE800  }
.LBB2_1:
0x17: {  	[dreg:$0xf] =	wrdreg s2  }
0x18: {  	s0 =	simm.s32 $0x0;
	s20 =	rddreg [dreg:$0x4];
	s31 =	simm.s32 $0x5  }
0x19: {  	[tilespmem:s0], [sflag:$0x5] =	stream.strided.gather [hbm4b:s20+s10], $0x800, s11, s10, $0x38;
	[tilespmem:$0x10800] =	vst v63  }
0x1a: {  	_ =	swait.ge [sflag:s31], $0x800  }
0x1b: {  	[sflag:s31] =	ssyncset.done $0x0  }
0x1c: {  	s4 =	simm.s32 $0x800;
	s2 =	rddreg [dreg:$0x5];
	[sflag:s31] =	ssyncadd.s32 $0xFFFFF800  }
0x1d: {  	[tilespmem:s4], [sflag:$0x1] =	stream.strided.gather [hbm4b:s2+s10], $0x800, s11, s10, $0x38;
	[tilespmem:$0x10800] =	vst v63  }
0x1e: {  	s9 =	simm.s32 $0x1000;
	s6 =	rddreg [dreg:$0x8]  }
0x1f: {  	[tilespmem:s9], [sflag:$0x1] =	stream.strided.gather [hbm4b:s6+s10], $0x800, s11, s10, $0x38;
	[tilespmem:$0x10800] =	vst v63  }
0x20: {  	s18 =	simm.s32 $0x1800;
	s16 =	rddreg [dreg:$0x9]  }
0x21: {  	[tilespmem:s18], [sflag:$0x1] =	stream.strided.gather [hbm4b:s16+s10], $0x800, s11, s10, $0x38;
	[tilespmem:$0x10800] =	vst v63  }
0x22: {  	s20 =	rddreg [dreg:$0xa];
	s31 =	simm.s32 $0x2000  }
0x23: {  	[tilespmem:s31], [sflag:$0x1] =	stream.strided.gather [hbm4b:s20+s10], $0x800, s11, s10, $0x38;
	[tilespmem:$0x10800] =	vst v63  }
0x24: {  	s2 =	rddreg [dreg:$0xb];
	s4 =	simm.s32 $0x2800  }
0x25: {  	[tilespmem:s4], [sflag:$0x1] =	stream.strided.gather [hbm4b:s2+s10], $0x800, s11, s10, $0x38;
	[tilespmem:$0x10800] =	vst v63  }
0x26: {  	s6 =	rddreg [dreg:$0xc];
	s9 =	simm.s32 $0x3000  }
0x27: {  	[tilespmem:s9], [sflag:$0x1] =	stream.strided.gather [hbm4b:s6+s10], $0x800, s11, s10, $0x38;
	[tilespmem:$0x10800] =	vst v63  }
0x28: {  	s16 =	rddreg [dreg:$0xd];
	s18 =	simm.s32 $0x3800  }
0x29: {  	[tilespmem:s18], [sflag:$0x1] =	stream.strided.gather [hbm4b:s16+s10], $0x800, s11, s10, $0x38;
	[tilespmem:$0x10800] =	vst v63  }
0x2a: {  	s30 =	simm.s32 $0x0;
	s20 =	rddreg [dreg:$0xe];
	s31 =	simm.s32 $0x4000  }
0x2b: {  	[tilespmem:s31], [sflag:$0x1] =	stream.strided.gather [hbm4b:s20+s10], $0x800, s11, s10, $0x38;
	[tilespmem:$0x10800] =	vst v63  }
.LBB2_2:
0x2c: {  	s0 =	sshll.u32 s30, $0x14  }
0x2d: {  	s2 =	sor.u32 s5, s0  }
0x2e: {  	s2 =	sshrl.u32 s2, $0x3  }
0x2f: {  	s31 =	sor.u32 $0x10000, s2  }
0x30: {  	s6 =	simm.s32 $0x4800;
	s4 =	sadd.s32 s1, s31  }
0x31: {  	[tilespmem:s6], [sflag:$0x2] =	stream.strided.gather [hbm4b:s4+s10], $0x800, s11, s10, $0x38;
	[tilespmem:$0x10800] =	vst v63  }
0x32: {  	s9 =	simm.s32 $0x5000;
	s16 =	sadd.s32 $0x2000, s4  }
0x33: {  	[tilespmem:s9], [sflag:$0x2] =	stream.strided.gather [hbm4b:s16+s10], $0x800, s11, s10, $0x38;
	[tilespmem:$0x10800] =	vst v63  }
0x34: {  	s20 =	simm.s32 $0x5800;
	s18 =	sadd.s32 $0x4000, s4  }
0x35: {  	[tilespmem:s20], [sflag:$0x2] =	stream.strided.gather [hbm4b:s18+s10], $0x800, s11, s10, $0x38;
	[tilespmem:$0x10800] =	vst v63  }
0x36: {  	s9 =	sadd.s32 $0x6000, s4;
	s16 =	simm.s32 $0x6000  }
0x37: {  	[tilespmem:s16], [sflag:$0x2] =	stream.strided.gather [hbm4b:s9+s10], $0x800, s11, s10, $0x38;
	[tilespmem:$0x10800] =	vst v63  }
0x38: {  	s18 =	sadd.s32 $0x8000, s4;
	s20 =	simm.s32 $0x6800  }
0x39: {  	[tilespmem:s20], [sflag:$0x2] =	stream.strided.gather [hbm4b:s18+s10], $0x800, s11, s10, $0x38;
	[tilespmem:$0x10800] =	vst v63  }
0x3a: {  	s9 =	sadd.s32 $0xA000, s4;
	s16 =	simm.s32 $0x7000  }
0x3b: {  	[tilespmem:s16], [sflag:$0x2] =	stream.strided.gather [hbm4b:s9+s10], $0x800, s11, s10, $0x38;
	[tilespmem:$0x10800] =	vst v63  }
0x3c: {  	s18 =	sadd.s32 $0xC000, s4;
	s20 =	simm.s32 $0x7800  }
0x3d: {  	[tilespmem:s20], [sflag:$0x2] =	stream.strided.gather [hbm4b:s18+s10], $0x800, s11, s10, $0x38;
	[tilespmem:$0x10800] =	vst v63  }
0x3e: {  	s4 =	sadd.s32 $0xE000, s4;
	s16 =	simm.s32 $0x8000  }
0x3f: {  	[tilespmem:s16], [sflag:$0x2] =	stream.strided.gather [hbm4b:s4+s10], $0x800, s11, s10, $0x38;
	[tilespmem:$0x10800] =	vst v63  }
0x40: {  	_ =	swait.ge [sflag:s14], $0x4000  }
0x41: {  	p0 =	seq.s32 s30, $0x0;
	[sflag:s14] =	ssyncset.done $0x0  }
0x42: {  	s4 =	simm.s32 @!p0 $0x3;
	[sflag:s14] =	ssyncadd.s32 $0xFFFFC000  }
0x43: {  	s18 =	simm.s32 $0x0;
	_ =	swait.ge @!p0 [sflag:s4], $0x4000  }
0x44: {  	s20 =	sand.u32 $0x60, s18;
	s6 =	sand.u32 $0x700, s18;
	[sflag:s4] =	ssyncset.done @!p0 $0x0  }
0x45: {  	[sflag:s4] =	ssyncadd.s32 @!p0 $0xFFFFC000;
	s4 =	sor.u32 s20, s6  }
0x46: {  	v1 =	vld [tilespmem:s4+$0x0]  }
0x47: {  	v0 =	vld [tilespmem:s4+$0x800]  }
0x48: {  	v2 =	vld [tilespmem:s4+$0x1000]  }
0x49: {  	v3 =	vld [tilespmem:s4+$0x1800]  }
0x4a: {  	v4 =	vld [tilespmem:s4+$0x2000]  }
0x4b: {  	v7 =	vld [tilespmem:s4+$0x3800]  }
0x4c: {  	v5 =	vld [tilespmem:s4+$0x2800]  }
0x4d: {  	v6 =	vld [tilespmem:s4+$0x3000]  }
0x4e: {  	v8 =	vld [tilespmem:s4+$0x4000];
	v0 =	vadd.f32 v0, v1  }
0x4f: {  	v9 =	vld [tilespmem:s4+$0x80];
	v2 =	vadd.f32 v2, v1  }
0x50: {  	v10 =	vld [tilespmem:s4+$0x10];
	v7 =	vadd.f32 v7, v1;
	[tilespmem:s4+$0x8800] =	vst v0  }
0x51: {  	v0 =	vadd.f32 v3, v1;
	[tilespmem:s4+$0x9000] =	vst v2;
	v2 =	vadd.f32 v4, v1;
	v3 =	vld [tilespmem:s4+$0x880]  }
0x52: {  	v4 =	vadd.f32 v5, v1;
	v5 =	vadd.f32 v6, v1;
	v6 =	vld [tilespmem:s4+$0x4090]  }
0x53: {  	[tilespmem:s4+$0xB800] =	vst v7;
	v7 =	vld [tilespmem:s4+$0x2880]  }
0x54: {  	[tilespmem:s4+$0x9800] =	vst v0;
	v0 =	vld [tilespmem:s4+$0x90]  }
0x55: {  	v1 =	vadd.f32 v8, v1;
	[tilespmem:s4+$0xA000] =	vst v2;
	v2 =	vld [tilespmem:s4+$0x1080]  }
0x56: {  	[tilespmem:s4+$0xA800] =	vst v4;
	v4 =	vld [tilespmem:s4+$0x1880]  }
0x57: {  	v8 =	vld [tilespmem:s4+$0x3880];
	[tilespmem:s4+$0xC000] =	vst v1;
	v1 =	vadd.f32 v3, v9  }
0x58: {  	v15 =	vld [tilespmem:s4+$0x3010];
	[tilespmem:s4+$0xB000] =	vst v5;
	v7 =	vadd.f32 v7, v9  }
0x59: {  	v5 =	vld [tilespmem:s4+$0x2080];
	v6 =	vadd.f32 v6, v0;
	[tilespmem:s4+$0x8880] =	vst v1  }
0x5a: {  	v1 =	vld [tilespmem:s4+$0x810];
	v2 =	vadd.f32 v2, v9;
	[tilespmem:s4+$0xA880] =	vst v7  }
0x5b: {  	v12 =	vld [tilespmem:s4+$0x1810];
	v4 =	vadd.f32 v4, v9;
	[tilespmem:s4+$0xC090] =	vst v6  }
0x5c: {  	v11 =	vld [tilespmem:s4+$0x1010];
	v7 =	vadd.f32 v8, v9;
	[tilespmem:s4+$0x9080] =	vst v2  }
0x5d: {  	v13 =	vld [tilespmem:s4+$0x2010];
	v8 =	vadd.f32 v15, v10;
	[tilespmem:s4+$0x9880] =	vst v4  }
0x5e: {  	v3 =	vld [tilespmem:s4+$0x3080];
	v2 =	vadd.f32 v5, v9;
	[tilespmem:s4+$0xB880] =	vst v7  }
0x5f: {  	v14 =	vld [tilespmem:s4+$0x2810];
	[tilespmem:s4+$0xB010] =	vst v8;
	v1 =	vadd.f32 v1, v10  }
0x60: {  	v6 =	vld [tilespmem:s4+$0x4080];
	v4 =	vadd.f32 v12, v10;
	[tilespmem:s4+$0xA080] =	vst v2  }
0x61: {  	v16 =	vld [tilespmem:s4+$0x3810];
	[tilespmem:s4+$0x8810] =	vst v1;
	v1 =	vadd.f32 v11, v10  }
0x62: {  	v5 =	vld [tilespmem:s4+$0x4010];
	[tilespmem:s4+$0x9810] =	vst v4;
	v4 =	vadd.f32 v13, v10  }
0x63: {  	v3 =	vadd.f32 v3, v9;
	[tilespmem:s4+$0x9010] =	vst v1;
	v1 =	vld [tilespmem:s4+$0x890]  }
0x64: {  	v2 =	vld [tilespmem:s4+$0x1090];
	[tilespmem:s4+$0xA010] =	vst v4;
	v4 =	vadd.f32 v14, v10  }
0x65: {  	[tilespmem:s4+$0xB080] =	vst v3;
	v3 =	vld [tilespmem:s4+$0x1890];
	v6 =	vadd.f32 v6, v9  }
0x66: {  	v7 =	vadd.f32 v16, v10;
	[tilespmem:s4+$0xA810] =	vst v4;
	v4 =	vld [tilespmem:s4+$0x2090]  }
0x67: {  	s9 =	simm.s32 $0x40;
	s16 =	simm.s32 $0x20;
	s6 =	simm.s32 $0x0;
	[tilespmem:s4+$0xC080] =	vst v6;
	v6 =	vadd.f32 v5, v10;
	v5 =	vld [tilespmem:s4+$0x2890]  }
.LBB2_3:
0x68: {  	s18 =	sand.u32 $0x60, s16;
	s20 =	sand.u32 $0x700, s9;
	[tilespmem:s4+$0xB810] =	vst v7;
	v1 =	vadd.f32 v1, v0;
	v7 =	vld [tilespmem:s4+$0x3090]  }
0x69: {  	s6 =	sadd.s32 $0x2, s6;
	s18 =	sor.u32 s18, s20;
	[tilespmem:s4+$0xC010] =	vst v6;
	v2 =	vadd.f32 v2, v0;
	v6 =	vld [tilespmem:s4+$0x3890]  }
0x6a: {  	p1 =	slt.u32 s6, $0x3E;
	v8 =	vld [tilespmem:s18+$0x90];
	[tilespmem:s4+$0x8890] =	vst v1;
	v1 =	vadd.f32 v3, v0  }
0x6b: {  	v3 =	vld [tilespmem:s18+$0x4090];
	[tilespmem:s4+$0x9090] =	vst v2;
	v2 =	vadd.f32 v4, v0  }
0x6c: {  	v4 =	vld [tilespmem:s18+$0x0];
	[tilespmem:s4+$0x9890] =	vst v1;
	v1 =	vadd.f32 v5, v0  }
0x6d: {  	v5 =	vld [tilespmem:s18+$0x800];
	[tilespmem:s4+$0xA090] =	vst v2;
	v2 =	vadd.f32 v7, v0  }
0x6e: {  	v7 =	vld [tilespmem:s18+$0x1000];
	[tilespmem:s4+$0xA890] =	vst v1;
	v1 =	vadd.f32 v6, v0  }
0x6f: {  	v6 =	vld [tilespmem:s18+$0x1800];
	[tilespmem:s4+$0xB090] =	vst v2;
	v0 =	vmov v8  }
0x70: {  	v2 =	vld [tilespmem:s18+$0x2000];
	v3 =	vadd.f32 v3, v0;
	[tilespmem:s4+$0xB890] =	vst v1;
	s4 =	smov.u32 s18  }
0x71: {  	v1 =	vld [tilespmem:s4+$0x2800]  }
0x72: {  	v5 =	vadd.f32 v5, v4;
	v8 =	vld [tilespmem:s4+$0x3000];
	[tilespmem:s4+$0xC090] =	vst v3  }
0x73: {  	v3 =	vadd.f32 v7, v4;
	v7 =	vld [tilespmem:s4+$0x3800]  }
0x74: {  	[tilespmem:s4+$0x8800] =	vst v5;
	v5 =	vadd.f32 v6, v4;
	v6 =	vld [tilespmem:s4+$0x4000]  }
0x75: {  	[tilespmem:s4+$0x9000] =	vst v3;
	v2 =	vadd.f32 v2, v4;
	v3 =	vld [tilespmem:s4+$0x80]  }
0x76: {  	[tilespmem:s4+$0x9800] =	vst v5;
	v1 =	vadd.f32 v1, v4;
	v5 =	vld [tilespmem:s4+$0x880]  }
0x77: {  	[tilespmem:s4+$0xA000] =	vst v2;
	v2 =	vadd.f32 v8, v4;
	v8 =	vld [tilespmem:s4+$0x1080]  }
0x78: {  	[tilespmem:s4+$0xA800] =	vst v1;
	v1 =	vadd.f32 v7, v4;
	v7 =	vld [tilespmem:s4+$0x1880]  }
0x79: {  	[tilespmem:s4+$0xB000] =	vst v2;
	v2 =	vadd.f32 v6, v4;
	v4 =	vld [tilespmem:s4+$0x2080]  }
0x7a: {  	[tilespmem:s4+$0xB800] =	vst v1;
	v1 =	vld [tilespmem:s4+$0x2880]  }
0x7b: {  	[tilespmem:s4+$0xC000] =	vst v2;
	v2 =	vadd.f32 v5, v3;
	v5 =	vld [tilespmem:s4+$0x3080]  }
0x7c: {  	v6 =	vadd.f32 v8, v3;
	v8 =	vld [tilespmem:s4+$0x3880]  }
0x7d: {  	[tilespmem:s4+$0x8880] =	vst v2;
	v2 =	vadd.f32 v7, v3;
	v7 =	vld [tilespmem:s4+$0x4080]  }
0x7e: {  	[tilespmem:s4+$0x9080] =	vst v6;
	v4 =	vadd.f32 v4, v3;
	v6 =	vld [tilespmem:s4+$0x10]  }
0x7f: {  	[tilespmem:s4+$0x9880] =	vst v2;
	v1 =	vadd.f32 v1, v3;
	v2 =	vld [tilespmem:s4+$0x810]  }
0x80: {  	[tilespmem:s4+$0xA080] =	vst v4;
	v4 =	vadd.f32 v5, v3;
	v5 =	vld [tilespmem:s4+$0x1010]  }
0x81: {  	[tilespmem:s4+$0xA880] =	vst v1;
	v1 =	vadd.f32 v8, v3;
	v8 =	vld [tilespmem:s4+$0x1810]  }
0x82: {  	[tilespmem:s4+$0xB080] =	vst v4;
	v3 =	vadd.f32 v7, v3;
	v4 =	vld [tilespmem:s4+$0x2010]  }
0x83: {  	[tilespmem:s4+$0xB880] =	vst v1;
	v7 =	vld [tilespmem:s4+$0x2810]  }
0x84: {  	[tilespmem:s4+$0xC080] =	vst v3;
	v1 =	vadd.f32 v2, v6;
	v3 =	vld [tilespmem:s4+$0x3010]  }
0x85: {  	v2 =	vadd.f32 v5, v6;
	v5 =	vld [tilespmem:s4+$0x3810]  }
0x86: {  	[tilespmem:s4+$0x8810] =	vst v1;
	v8 =	vadd.f32 v8, v6;
	v9 =	vld [tilespmem:s4+$0x4010]  }
.Ltmp0:
0x87: {  	[tilespmem:s4+$0x9010] =	vst v2;
	v4 =	vadd.f32 v4, v6;
	v1 =	vld [tilespmem:s4+$0x890];
	(pc) =	sbr.rel @p1 .LBB2_3-.Ltmp0, $4  }
0x88: {  	[tilespmem:s4+$0x9810] =	vst v8;
	v7 =	vadd.f32 v7, v6;
	v2 =	vld [tilespmem:s4+$0x1090]  }
0x89: {  	[tilespmem:s4+$0xA010] =	vst v4;
	v8 =	vadd.f32 v3, v6;
	v3 =	vld [tilespmem:s4+$0x1890]  }
0x8a: {  	[tilespmem:s4+$0xA810] =	vst v7;
	v7 =	vadd.f32 v5, v6;
	v4 =	vld [tilespmem:s4+$0x2090]  }
0x8b: {  	s9 =	sadd.s32 $0x40, s9;
	s16 =	sadd.s32 $0x20, s16;
	[tilespmem:s4+$0xB010] =	vst v8;
	v6 =	vadd.f32 v9, v6;
	v5 =	vld [tilespmem:s4+$0x2890]  }
0x8c: {  	[tilespmem:s4+$0xB810] =	vst v7;
	v57 =	vld [tilespmem:s4+$0x3090];
	v1 =	vadd.f32 v1, v0  }
0x8d: {  	v58 =	vld [tilespmem:s4+$0x3890];
	[tilespmem:s4+$0xC010] =	vst v6;
	v2 =	vadd.f32 v2, v0  }
0x8e: {  	[tilespmem:s4+$0x8890] =	vst v1;
	v59 =	vadd.f32 v3, v0  }
0x8f: {  	[tilespmem:s4+$0x9090] =	vst v2;
	v60 =	vadd.f32 v4, v0  }
0x90: {  	[tilespmem:s4+$0x9890] =	vst v59;
	v61 =	vadd.f32 v5, v0  }
0x91: {  	[tilespmem:s4+$0xA090] =	vst v60;
	v62 =	vadd.f32 v57, v0  }
0x92: {  	v63 =	vadd.f32 v58, v0;
	[tilespmem:s4+$0xA890] =	vst v61  }
0x93: {  	[tilespmem:s4+$0xB090] =	vst v62  }
0x94: {  	s2 =	sadd.s32 s3, s2;
	s9 =	simm.s32 $0x8800;
	[tilespmem:s4+$0xB890] =	vst v63  }
0x95: {  	[hbm4b:s2+s10] =	stream.strided.scatter [tilespmem:s9], [sflag:$0x3], $0x800, s11, s10, $0x38;
	[tilespmem:$0x10800] =	vst v63  }
0x96: {  	s6 =	simm.s32 $0x9000;
	s16 =	sadd.s32 $0x2000, s2  }
0x97: {  	[hbm4b:s16+s10] =	stream.strided.scatter [tilespmem:s6], [sflag:$0x3], $0x800, s11, s10, $0x38;
	[tilespmem:$0x10800] =	vst v63  }
0x98: {  	s20 =	simm.s32 $0x9800;
	s18 =	sadd.s32 $0x4000, s2  }
0x99: {  	[hbm4b:s18+s10] =	stream.strided.scatter [tilespmem:s20], [sflag:$0x3], $0x800, s11, s10, $0x38;
	[tilespmem:$0x10800] =	vst v63  }
0x9a: {  	s9 =	sadd.s32 $0x6000, s2  }
0x9b: {  	[hbm4b:s9+s10] =	stream.strided.scatter [tilespmem:s22], [sflag:$0x3], $0x800, s11, s10, $0x38;
	[tilespmem:$0x10800] =	vst v63  }
0x9c: {  	s16 =	sadd.s32 $0x8000, s2  }
0x9d: {  	[hbm4b:s16+s10] =	stream.strided.scatter [tilespmem:s24], [sflag:$0x3], $0x800, s11, s10, $0x38;
	[tilespmem:$0x10800] =	vst v63  }
0x9e: {  	p1 =	sne.s32 s30, $0x3F;
	s18 =	sadd.s32 $0xA000, s2  }
0x9f: {  	[hbm4b:s18+s10] =	stream.strided.scatter [tilespmem:s26], [sflag:$0x3], $0x800, s11, s10, $0x38;
	[tilespmem:$0x10800] =	vst v63  }
.Ltmp1:
0xa0: {  	_ = 	snop;
	(pc) =	sbr.rel @p1 .LBB2_6-.Ltmp1, $4  }
0xa1: {  	s20 =	sadd.s32 $0xC000, s2  }
0xa2: {  	[hbm4b:s20+s10] =	stream.strided.scatter [tilespmem:s7], [sflag:$0x3], $0x800, s11, s10, $0x38;
	[tilespmem:$0x10800] =	vst v63  }
0xa3: {  	s2 =	sadd.s32 $0xE000, s2  }
0xa4: {  	[hbm4b:s2+s10] =	stream.strided.scatter [tilespmem:s12], [sflag:$0x3], $0x800, s11, s10, $0x38;
	[tilespmem:$0x10800] =	vst v63  }
.Ltmp2:
0xa5: {  	(pc) =	sbr.rel .LBB2_7-.Ltmp2, $4  }
0xa6: {  	_ = 	snop  }
0xa7: {  	_ =	swait.ge [sflag:s13], $0x4000  }
0xa8: {  	[sflag:s13] =	ssyncset.done $0x0  }
0xa9: {  	[sflag:s13] =	ssyncadd.s32 $0xFFFFC000  }
.LBB2_6:
0xaa: {  	s2 =	rddreg [dreg:$0x6]  }
0xab: {  	s0 =	sadd.s32 s2, s0  }
0xac: {  	s0 =	sshrl.u32 s0, $0x3  }
0xad: {  	s18 =	simm.s32 $0x800;
	s0 =	sadd.s32 s1, s0  }
0xae: {  	[tilespmem:s18], [sflag:$0x1] =	stream.strided.gather [hbm4b:s0+s10], $0x800, s11, s10, $0x38;
	[tilespmem:$0x10800] =	vst v63  }
0xaf: {  	s4 =	simm.s32 $0x1000;
	s20 =	sadd.s32 $0x2000, s0  }
0xb0: {  	[tilespmem:s4], [sflag:$0x1] =	stream.strided.gather [hbm4b:s20+s10], $0x800, s11, s10, $0x38;
	[tilespmem:$0x10800] =	vst v63  }
0xb1: {  	s6 =	simm.s32 $0x1800;
	s4 =	sadd.s32 $0x4000, s0  }
0xb2: {  	[tilespmem:s6], [sflag:$0x1] =	stream.strided.gather [hbm4b:s4+s10], $0x800, s11, s10, $0x38;
	[tilespmem:$0x10800] =	vst v63  }
0xb3: {  	s16 =	simm.s32 $0x2000;
	s9 =	sadd.s32 $0x6000, s0  }
0xb4: {  	[tilespmem:s16], [sflag:$0x1] =	stream.strided.gather [hbm4b:s9+s10], $0x800, s11, s10, $0x38;
	[tilespmem:$0x10800] =	vst v63  }
0xb5: {  	s18 =	sadd.s32 $0x8000, s0;
	s20 =	simm.s32 $0x2800  }
0xb6: {  	[tilespmem:s20], [sflag:$0x1] =	stream.strided.gather [hbm4b:s18+s10], $0x800, s11, s10, $0x38;
	[tilespmem:$0x10800] =	vst v63  }
0xb7: {  	s6 =	sadd.s32 $0xA000, s0;
	s9 =	simm.s32 $0x3000  }
0xb8: {  	[tilespmem:s9], [sflag:$0x1] =	stream.strided.gather [hbm4b:s6+s10], $0x800, s11, s10, $0x38;
	[tilespmem:$0x10800] =	vst v63  }
0xb9: {  	s16 =	sadd.s32 $0xC000, s0;
	s18 =	simm.s32 $0x3800  }
0xba: {  	[tilespmem:s18], [sflag:$0x1] =	stream.strided.gather [hbm4b:s16+s10], $0x800, s11, s10, $0x38;
	[tilespmem:$0x10800] =	vst v63  }
.Ltmp3:
0xbb: {  	s0 =	sadd.s32 $0xE000, s0;
	s20 =	simm.s32 $0x4000;
	(pc) =	sbr.rel @p0 .LBB2_8-.Ltmp3, $4  }
0xbc: {  	[tilespmem:s20], [sflag:$0x1] =	stream.strided.gather [hbm4b:s0+s10], $0x800, s11, s10, $0x38;
	[tilespmem:$0x10800] =	vst v63  }
0xbd: {  	_ =	swait.ge [sflag:s13], $0x4000  }
0xbe: {  	[sflag:s13] =	ssyncset.done $0x0  }
0xbf: {  	[sflag:s13] =	ssyncadd.s32 $0xFFFFC000  }
.LBB2_7:
0xc0: {  	_ =	swait.ge [sflag:s15], $0x4000  }
0xc1: {  	[sflag:s15] =	ssyncset.done $0x0  }
0xc2: {  	[sflag:s15] =	ssyncadd.s32 $0xFFFFC000  }
.LBB2_8:
0xc3: {  	s0 =	simm.s32 $0x0  }
0xc4: {  	s2 =	sand.u32 $0x60, s0;
	s0 =	sand.u32 $0x700, s0  }
0xc5: {  	s0 =	sor.u32 s2, s0  }
0xc6: {  	v1 =	vld [tilespmem:s0+$0x0]  }
0xc7: {  	v0 =	vld [tilespmem:s0+$0x4800]  }
0xc8: {  	v2 =	vld [tilespmem:s0+$0x5000]  }
0xc9: {  	v3 =	vld [tilespmem:s0+$0x5800]  }
0xca: {  	v4 =	vld [tilespmem:s0+$0x6000]  }
0xcb: {  	v7 =	vld [tilespmem:s0+$0x7800]  }
0xcc: {  	v5 =	vld [tilespmem:s0+$0x6800]  }
0xcd: {  	v6 =	vld [tilespmem:s0+$0x7000]  }
0xce: {  	v8 =	vld [tilespmem:s0+$0x8000];
	v0 =	vadd.f32 v0, v1  }
0xcf: {  	v9 =	vld [tilespmem:s0+$0x80];
	v2 =	vadd.f32 v2, v1  }
0xd0: {  	v10 =	vld [tilespmem:s0+$0x10];
	v7 =	vadd.f32 v7, v1;
	[tilespmem:s0+$0xC800] =	vst v0  }
0xd1: {  	v0 =	vadd.f32 v3, v1;
	[tilespmem:s0+$0xD000] =	vst v2;
	v2 =	vadd.f32 v4, v1;
	v3 =	vld [tilespmem:s0+$0x4880]  }
0xd2: {  	v4 =	vadd.f32 v5, v1;
	v5 =	vadd.f32 v6, v1;
	v6 =	vld [tilespmem:s0+$0x8090]  }
0xd3: {  	[tilespmem:s0+$0xF800] =	vst v7;
	v7 =	vld [tilespmem:s0+$0x6880]  }
0xd4: {  	[tilespmem:s0+$0xD800] =	vst v0;
	v0 =	vld [tilespmem:s0+$0x90]  }
0xd5: {  	v1 =	vadd.f32 v8, v1;
	[tilespmem:s0+$0xE000] =	vst v2;
	v2 =	vld [tilespmem:s0+$0x5080]  }
0xd6: {  	[tilespmem:s0+$0xE800] =	vst v4;
	v4 =	vld [tilespmem:s0+$0x5880]  }
0xd7: {  	v8 =	vld [tilespmem:s0+$0x7880];
	[tilespmem:s0+$0x10000] =	vst v1;
	v1 =	vadd.f32 v3, v9  }
0xd8: {  	v15 =	vld [tilespmem:s0+$0x7010];
	[tilespmem:s0+$0xF000] =	vst v5;
	v7 =	vadd.f32 v7, v9  }
0xd9: {  	v5 =	vld [tilespmem:s0+$0x6080];
	v6 =	vadd.f32 v6, v0;
	[tilespmem:s0+$0xC880] =	vst v1  }
0xda: {  	v1 =	vld [tilespmem:s0+$0x4810];
	v2 =	vadd.f32 v2, v9;
	[tilespmem:s0+$0xE880] =	vst v7  }
0xdb: {  	v12 =	vld [tilespmem:s0+$0x5810];
	v4 =	vadd.f32 v4, v9;
	[tilespmem:s0+$0x10090] =	vst v6  }
0xdc: {  	v11 =	vld [tilespmem:s0+$0x5010];
	v7 =	vadd.f32 v8, v9;
	[tilespmem:s0+$0xD080] =	vst v2  }
0xdd: {  	v13 =	vld [tilespmem:s0+$0x6010];
	v8 =	vadd.f32 v15, v10;
	[tilespmem:s0+$0xD880] =	vst v4  }
0xde: {  	v3 =	vld [tilespmem:s0+$0x7080];
	v2 =	vadd.f32 v5, v9;
	[tilespmem:s0+$0xF880] =	vst v7  }
0xdf: {  	v14 =	vld [tilespmem:s0+$0x6810];
	[tilespmem:s0+$0xF010] =	vst v8;
	v1 =	vadd.f32 v1, v10  }
0xe0: {  	v6 =	vld [tilespmem:s0+$0x8080];
	v4 =	vadd.f32 v12, v10;
	[tilespmem:s0+$0xE080] =	vst v2  }
0xe1: {  	v16 =	vld [tilespmem:s0+$0x7810];
	[tilespmem:s0+$0xC810] =	vst v1;
	v1 =	vadd.f32 v11, v10  }
0xe2: {  	v5 =	vld [tilespmem:s0+$0x8010];
	[tilespmem:s0+$0xD810] =	vst v4;
	v4 =	vadd.f32 v13, v10  }
0xe3: {  	v3 =	vadd.f32 v3, v9;
	[tilespmem:s0+$0xD010] =	vst v1;
	v1 =	vld [tilespmem:s0+$0x4890]  }
0xe4: {  	v2 =	vld [tilespmem:s0+$0x5090];
	[tilespmem:s0+$0xE010] =	vst v4;
	v4 =	vadd.f32 v14, v10  }
0xe5: {  	[tilespmem:s0+$0xF080] =	vst v3;
	v3 =	vld [tilespmem:s0+$0x5890];
	v6 =	vadd.f32 v6, v9  }
0xe6: {  	v7 =	vadd.f32 v16, v10;
	[tilespmem:s0+$0xE810] =	vst v4;
	v4 =	vld [tilespmem:s0+$0x6090]  }
0xe7: {  	s4 =	simm.s32 $0x40;
	s6 =	simm.s32 $0x20;
	s2 =	simm.s32 $0x0;
	[tilespmem:s0+$0x10080] =	vst v6;
	v6 =	vadd.f32 v5, v10;
	v5 =	vld [tilespmem:s0+$0x6890]  }
.LBB2_9:
0xe8: {  	s9 =	sand.u32 $0x60, s6;
	s16 =	sand.u32 $0x700, s4;
	[tilespmem:s0+$0xF810] =	vst v7;
	v1 =	vadd.f32 v1, v0;
	v7 =	vld [tilespmem:s0+$0x7090]  }
0xe9: {  	s2 =	sadd.s32 $0x2, s2;
	s9 =	sor.u32 s9, s16;
	[tilespmem:s0+$0x10010] =	vst v6;
	v2 =	vadd.f32 v2, v0;
	v6 =	vld [tilespmem:s0+$0x7890]  }
0xea: {  	p0 =	slt.u32 s2, $0x3E;
	v8 =	vld [tilespmem:s9+$0x90];
	[tilespmem:s0+$0xC890] =	vst v1;
	v1 =	vadd.f32 v3, v0  }
0xeb: {  	v3 =	vld [tilespmem:s9+$0x8090];
	[tilespmem:s0+$0xD090] =	vst v2;
	v2 =	vadd.f32 v4, v0  }
0xec: {  	v4 =	vld [tilespmem:s9+$0x0];
	[tilespmem:s0+$0xD890] =	vst v1;
	v1 =	vadd.f32 v5, v0  }
0xed: {  	v5 =	vld [tilespmem:s9+$0x4800];
	[tilespmem:s0+$0xE090] =	vst v2;
	v2 =	vadd.f32 v7, v0  }
0xee: {  	v7 =	vld [tilespmem:s9+$0x5000];
	[tilespmem:s0+$0xE890] =	vst v1;
	v1 =	vadd.f32 v6, v0  }
0xef: {  	v6 =	vld [tilespmem:s9+$0x5800];
	[tilespmem:s0+$0xF090] =	vst v2;
	v0 =	vmov v8  }
0xf0: {  	v2 =	vld [tilespmem:s9+$0x6000];
	v3 =	vadd.f32 v3, v0;
	[tilespmem:s0+$0xF890] =	vst v1;
	s0 =	smov.u32 s9  }
0xf1: {  	v1 =	vld [tilespmem:s0+$0x6800]  }
0xf2: {  	v5 =	vadd.f32 v5, v4;
	v8 =	vld [tilespmem:s0+$0x7000];
	[tilespmem:s0+$0x10090] =	vst v3  }
0xf3: {  	v3 =	vadd.f32 v7, v4;
	v7 =	vld [tilespmem:s0+$0x7800]  }
0xf4: {  	[tilespmem:s0+$0xC800] =	vst v5;
	v5 =	vadd.f32 v6, v4;
	v6 =	vld [tilespmem:s0+$0x8000]  }
0xf5: {  	[tilespmem:s0+$0xD000] =	vst v3;
	v2 =	vadd.f32 v2, v4;
	v3 =	vld [tilespmem:s0+$0x80]  }
0xf6: {  	[tilespmem:s0+$0xD800] =	vst v5;
	v1 =	vadd.f32 v1, v4;
	v5 =	vld [tilespmem:s0+$0x4880]  }
0xf7: {  	[tilespmem:s0+$0xE000] =	vst v2;
	v2 =	vadd.f32 v8, v4;
	v8 =	vld [tilespmem:s0+$0x5080]  }
0xf8: {  	[tilespmem:s0+$0xE800] =	vst v1;
	v1 =	vadd.f32 v7, v4;
	v7 =	vld [tilespmem:s0+$0x5880]  }
0xf9: {  	[tilespmem:s0+$0xF000] =	vst v2;
	v2 =	vadd.f32 v6, v4;
	v4 =	vld [tilespmem:s0+$0x6080]  }
0xfa: {  	[tilespmem:s0+$0xF800] =	vst v1;
	v1 =	vld [tilespmem:s0+$0x6880]  }
0xfb: {  	[tilespmem:s0+$0x10000] =	vst v2;
	v2 =	vadd.f32 v5, v3;
	v5 =	vld [tilespmem:s0+$0x7080]  }
0xfc: {  	v6 =	vadd.f32 v8, v3;
	v8 =	vld [tilespmem:s0+$0x7880]  }
0xfd: {  	[tilespmem:s0+$0xC880] =	vst v2;
	v2 =	vadd.f32 v7, v3;
	v7 =	vld [tilespmem:s0+$0x8080]  }
0xfe: {  	[tilespmem:s0+$0xD080] =	vst v6;
	v4 =	vadd.f32 v4, v3;
	v6 =	vld [tilespmem:s0+$0x10]  }
0xff: {  	[tilespmem:s0+$0xD880] =	vst v2;
	v1 =	vadd.f32 v1, v3;
	v2 =	vld [tilespmem:s0+$0x4810]  }
0x100: {  	[tilespmem:s0+$0xE080] =	vst v4;
	v4 =	vadd.f32 v5, v3;
	v5 =	vld [tilespmem:s0+$0x5010]  }
0x101: {  	[tilespmem:s0+$0xE880] =	vst v1;
	v1 =	vadd.f32 v8, v3;
	v8 =	vld [tilespmem:s0+$0x5810]  }
0x102: {  	[tilespmem:s0+$0xF080] =	vst v4;
	v3 =	vadd.f32 v7, v3;
	v4 =	vld [tilespmem:s0+$0x6010]  }
0x103: {  	[tilespmem:s0+$0xF880] =	vst v1;
	v7 =	vld [tilespmem:s0+$0x6810]  }
0x104: {  	[tilespmem:s0+$0x10080] =	vst v3;
	v1 =	vadd.f32 v2, v6;
	v3 =	vld [tilespmem:s0+$0x7010]  }
0x105: {  	v2 =	vadd.f32 v5, v6;
	v5 =	vld [tilespmem:s0+$0x7810]  }
0x106: {  	[tilespmem:s0+$0xC810] =	vst v1;
	v8 =	vadd.f32 v8, v6;
	v9 =	vld [tilespmem:s0+$0x8010]  }
.Ltmp4:
0x107: {  	[tilespmem:s0+$0xD010] =	vst v2;
	v4 =	vadd.f32 v4, v6;
	v1 =	vld [tilespmem:s0+$0x4890];
	(pc) =	sbr.rel @p0 .LBB2_9-.Ltmp4, $4  }
0x108: {  	[tilespmem:s0+$0xD810] =	vst v8;
	v7 =	vadd.f32 v7, v6;
	v2 =	vld [tilespmem:s0+$0x5090]  }
0x109: {  	[tilespmem:s0+$0xE010] =	vst v4;
	v8 =	vadd.f32 v3, v6;
	v3 =	vld [tilespmem:s0+$0x5890]  }
0x10a: {  	[tilespmem:s0+$0xE810] =	vst v7;
	v7 =	vadd.f32 v5, v6;
	v4 =	vld [tilespmem:s0+$0x6090]  }
0x10b: {  	s4 =	sadd.s32 $0x40, s4;
	s6 =	sadd.s32 $0x20, s6;
	[tilespmem:s0+$0xF010] =	vst v8;
	v6 =	vadd.f32 v9, v6;
	v5 =	vld [tilespmem:s0+$0x6890]  }
0x10c: {  	[tilespmem:s0+$0xF810] =	vst v7;
	v57 =	vld [tilespmem:s0+$0x7090];
	v1 =	vadd.f32 v1, v0  }
0x10d: {  	v58 =	vld [tilespmem:s0+$0x7890];
	[tilespmem:s0+$0x10010] =	vst v6;
	v2 =	vadd.f32 v2, v0  }
0x10e: {  	[tilespmem:s0+$0xC890] =	vst v1;
	v59 =	vadd.f32 v3, v0  }
0x10f: {  	[tilespmem:s0+$0xD090] =	vst v2;
	v60 =	vadd.f32 v4, v0  }
0x110: {  	[tilespmem:s0+$0xD890] =	vst v59;
	v61 =	vadd.f32 v5, v0  }
0x111: {  	[tilespmem:s0+$0xE090] =	vst v60;
	v62 =	vadd.f32 v57, v0  }
0x112: {  	v63 =	vadd.f32 v58, v0;
	[tilespmem:s0+$0xE890] =	vst v61  }
0x113: {  	[tilespmem:s0+$0xF090] =	vst v62  }
0x114: {  	s6 =	sadd.s32 s3, s31;
	[tilespmem:s0+$0xF890] =	vst v63  }
0x115: {  	[hbm4b:s6+s10] =	stream.strided.scatter [tilespmem:s17], [sflag:$0x4], $0x800, s11, s10, $0x38;
	[tilespmem:$0x10800] =	vst v63  }
0x116: {  	s2 =	sadd.s32 $0x2000, s6  }
0x117: {  	[hbm4b:s2+s10] =	stream.strided.scatter [tilespmem:s19], [sflag:$0x4], $0x800, s11, s10, $0x38;
	[tilespmem:$0x10800] =	vst v63  }
0x118: {  	s9 =	sadd.s32 $0x4000, s6  }
0x119: {  	[hbm4b:s9+s10] =	stream.strided.scatter [tilespmem:s21], [sflag:$0x4], $0x800, s11, s10, $0x38;
	[tilespmem:$0x10800] =	vst v63  }
0x11a: {  	s16 =	sadd.s32 $0x6000, s6  }
0x11b: {  	[hbm4b:s16+s10] =	stream.strided.scatter [tilespmem:s23], [sflag:$0x4], $0x800, s11, s10, $0x38;
	[tilespmem:$0x10800] =	vst v63  }
0x11c: {  	s30 =	sadd.s32 $0x1, s30;
	s18 =	sadd.s32 $0x8000, s6  }
0x11d: {  	[hbm4b:s18+s10] =	stream.strided.scatter [tilespmem:s25], [sflag:$0x4], $0x800, s11, s10, $0x38;
	[tilespmem:$0x10800] =	vst v63  }
0x11e: {  	s20 =	sadd.s32 $0xA000, s6;
	p0 =	sne.s32 s30, $0x40  }
0x11f: {  	[hbm4b:s20+s10] =	stream.strided.scatter [tilespmem:s28], [sflag:$0x4], $0x800, s11, s10, $0x38;
	[tilespmem:$0x10800] =	vst v63  }
.Ltmp5:
0x120: {  	_ = 	snop;
	(pc) =	sbr.rel @p0 .LBB2_2-.Ltmp5, $4  }
0x121: {  	s31 =	sadd.s32 $0xC000, s6  }
0x122: {  	[hbm4b:s31+s10] =	stream.strided.scatter [tilespmem:s8], [sflag:$0x4], $0x800, s11, s10, $0x38;
	[tilespmem:$0x10800] =	vst v63  }
0x123: {  	s0 =	sadd.s32 $0xE000, s6  }
0x124: {  	[hbm4b:s0+s10] =	stream.strided.scatter [tilespmem:s29], [sflag:$0x4], $0x800, s11, s10, $0x38;
	[tilespmem:$0x10800] =	vst v63  }
0x125: {  	s0 =	simm.s32 $0x3  }
0x126: {  	_ =	swait.ge [sflag:s0], $0x4000  }
0x127: {  	[sflag:s0] =	ssyncset.done $0x0  }
0x128: {  	[sflag:s0] =	ssyncadd.s32 $0xFFFFC000  }
0x129: {  	_ =	swait.ge [sflag:s15], $0x4000  }
0x12a: {  	s2 =	rddreg [dreg:$0xf]  }
0x12b: {  	s31 =	rddreg [dreg:$0x7];
	s2 =	sadd.s32 $0x1, s2  }
0x12c: {  	p0 =	sne.s32 s2, s31  }
.Ltmp6:
0x12d: {  	_ = 	snop;
	(pc) =	sbr.rel @p0 .LBB2_1-.Ltmp6, $3  }
0x12e: {  	_ =	sdelay $0x1  }
0x12f: {  	[sflag:s15] =	ssyncset.done $0x0  }
0x130: {  	[sflag:s15] =	ssyncadd.s32 $0xFFFFC000  }
0x131: {  	_ =	sfence.sel $0x180000  }
0x132: {  	[bflag:$0x0] =	sbarrier.arrive $0xFFFF  }
0x133: {  	_ =	strace $0x90000047  }
0x134: {  	s0 =	stileid.u32;
	[bflag:$0x2] =	sbarrier.arrive $0xFFFF  }
0x135: {  	p0 =	sne.s32 s0, $0x0;
	s0 =	rddreg [dreg:$0x3]  }
0x136: {  	s0 =	sadd.s32 @!p0 $0x100000, s0  }
0x137: {  	[sflag:s0] =	ssyncadd.tile.s32 @!p0 $0x1;
	_ =	shalt  }
.Lfunc_end2:
_tile_overlayer_lowered:
.L_overlay_start_2:
0x138: {  	(tag) =	ssettag $0x2  }
0x139: {  	s0 =	rddreg [dreg:$0x0];
	s2 =	stileid.u32  }
0x13a: {  	s1 =	rddreg [dreg:$0x1];
	p0 =	sne.s32 s2, $0x0  }
0x13b: {  	s3 =	rddreg [dreg:$0x2];
	[bflag:$0x3] =	sbarrier.arrive $0xFFFF;
	s2 =	simm.s32 @!p0 $0x1C05  }
0x13c: {  	[timem:s3], [sflag:s2] =	dma.local @!p0 [hbm:s0], s1  }
0x13d: {  	s0 =	simm.s32 @!p0 $0x5  }
0x13e: {  	_ =	swait.ge @!p0 [sflag:s0], s1  }
0x13f: {  	s1 =	ssub.s32 @!p0 $0x0, s1;
	[sflag:s0] =	ssyncset.done @!p0 $0x0  }
0x140: {  	[sflag:s0] =	ssyncadd.s32 @!p0 s1  }
0x141: {  	[bflag:$0x3] =	sbarrier.arrive $0xFFFF  }
0x142: {  	_ =	shalt  }

</sc_bundles>
